<compile_context>
chip_gen: v7x
topology: tpu7x:2x2x1
jax: 0.10.2.dev20260603
libtpu: 0.0.44.dev20260713+nightly
codegen_flags: <defaults>
</compile_context>

<pallas_src>
import functools

import jax
import jax.numpy as jnp
from jax import lax
from jax.experimental import pallas as pl
from jax.experimental.pallas import tpu as pltpu
from jax.experimental.pallas import tpu_sc as plsc

B = 16384
D = 128
L = 16
NC = 2
NS = 16
NW = NC * NS
BPW = B // NW
BLK = 128
NBLK = BPW // BLK

_mesh = plsc.VectorSubcoreMesh(core_axis_name="c", subcore_axis_name="s")


@functools.partial(
    pl.kernel,
    mesh=_mesh,
    out_type=jax.ShapeDtypeStruct((B,), jnp.float32),
    compiler_params=pltpu.CompilerParams(needs_layout_passes=False),
    scratch_types=[
        pltpu.VMEM((NBLK, BLK), jnp.int32),
        pltpu.VMEM((NBLK, BLK), jnp.int32),
        pltpu.VMEM((2 * BLK, D), jnp.float32),
        pltpu.VMEM((2 * BLK, D), jnp.float32),
        pltpu.VMEM((BPW,), jnp.float32),
        pltpu.VMEM((BPW,), jnp.float32),
        pltpu.VMEM((L, L + 1), jnp.float32),
        pltpu.SemaphoreType.DMA,
        pltpu.SemaphoreType.DMA,
        pltpu.SemaphoreType.DMA,
    ],
)
def _disc_kernel(nid_hbm, nbr_hbm, emb_hbm, bias_hbm, out_hbm,
                 nid_v, nbr_v, nrows_v, brows_v,
                 bias_v, scores_v, tp_v, sem0, sem1, semz):
    wid = lax.axis_index("c") * NS + lax.axis_index("s")
    base = wid * NBLK

    cp_i = pltpu.async_copy(nid_hbm.at[pl.ds(base, NBLK)], nid_v, sem0)
    cp_j = pltpu.async_copy(nbr_hbm.at[pl.ds(base, NBLK)], nbr_v, sem1)
    cp_i.wait()
    cp_j.wait()

    def start_rows(blk, slot0):
        off = 0 if slot0 else BLK
        sem = sem0 if slot0 else sem1
        pltpu.async_copy(emb_hbm.at[nid_v.at[blk]],
                         nrows_v.at[pl.ds(off, BLK)], sem)
        pltpu.async_copy(emb_hbm.at[nbr_v.at[blk]],
                         brows_v.at[pl.ds(off, BLK)], sem)

    def wait_rows(slot0):
        off = 0 if slot0 else BLK
        sem = sem0 if slot0 else sem1
        pltpu.make_async_copy(emb_hbm.at[pl.ds(0, BLK)],
                              nrows_v.at[pl.ds(off, BLK)], sem).wait()
        pltpu.make_async_copy(emb_hbm.at[pl.ds(0, BLK)],
                              brows_v.at[pl.ds(off, BLK)], sem).wait()

    for blk in range(NBLK):
        pltpu.async_copy(bias_hbm.at[nbr_v.at[blk]],
                         bias_v.at[pl.ds(blk * BLK, BLK)], semz)

    start_rows(0, True)

    lanes = lax.iota(jnp.int32, L)

    def block_body(t, carry):
        even = t % 2 == 0
        soff = jnp.where(even, 0, BLK)

        @pl.when(jnp.logical_and(t + 1 < NBLK, even))
        def _():
            start_rows(t + 1, False)

        @pl.when(jnp.logical_and(t + 1 < NBLK, jnp.logical_not(even)))
        def _():
            start_rows(t + 1, True)

        @pl.when(even)
        def _():
            wait_rows(True)

        @pl.when(jnp.logical_not(even))
        def _():
            wait_rows(False)

        def body(g, carry2):
            NI = 4
            for k in range(0, L, NI):
                ps = [soff + g * L + k + i for i in range(NI)]
                accs = [nrows_v[p, pl.ds(0, L)] * brows_v[p, pl.ds(0, L)]
                        for p in ps]
                for c in range(1, D // L):
                    for i, p in enumerate(ps):
                        accs[i] = accs[i] + (nrows_v[p, pl.ds(c * L, L)]
                                             * brows_v[p, pl.ds(c * L, L)])
                for i in range(NI):
                    tp_v[k + i, pl.ds(0, L)] = accs[i]
            g16 = [plsc.load_gather(tp_v, [lanes, jnp.full((L,), c, jnp.int32)])
                   for c in range(L)]
            while len(g16) > 1:
                g16 = [g16[i] + g16[i + 1] for i in range(0, len(g16), 2)]
            scores_v[pl.ds(t * BLK + g * L, L)] = g16[0]
            return carry2

        lax.fori_loop(0, BLK // L, body, 0)
        return carry

    lax.fori_loop(0, NBLK, block_body, 0)

    for blk in range(NBLK):
        pltpu.make_async_copy(bias_hbm.at[pl.ds(0, BLK)],
                              bias_v.at[pl.ds(blk * BLK, BLK)], semz).wait()

    def sig_body(t, carry):
        for i in range(4):
            off = (t * 4 + i) * L
            s = scores_v[pl.ds(off, L)] + bias_v[pl.ds(off, L)]
            scores_v[pl.ds(off, L)] = 1.0 / (1.0 + jnp.exp(-s))
        return carry

    lax.fori_loop(0, BPW // L // 4, sig_body, 0)

    pltpu.sync_copy(scores_v, out_hbm.at[pl.ds(wid * BPW, BPW)])


def kernel(node_id, node_neighbor_id, embedding_matrix, bias):
    return _disc_kernel(
        node_id.astype(jnp.int32).reshape(B // BLK, BLK),
        node_neighbor_id.astype(jnp.int32).reshape(B // BLK, BLK),
        embedding_matrix,
        bias,
    )

# --- scband reference (transcript-rebuilt; emitter-appended) ---
"""Pipeline reference for scband-discriminator-1090921693201 (READ-ONLY COPY).

The authoritative reference and input builder live on the scoring server;
editing this copy changes nothing except your own understanding.
"""

import jax, jax.numpy as jnp
import numpy as np

N_NODE = 100000
EMB_DIM = 128
BATCH = 16384


def setup_inputs(seed: int = 0) -> dict:
    key = jax.random.key(seed)
    k1, k2, k3 = jax.random.split(key, 3)
    node_id = jax.random.randint(k1, (BATCH,), 0, N_NODE, dtype=jnp.int64 if jax.config.jax_enable_x64 else jnp.int32)
    node_neighbor_id = jax.random.randint(k2, (BATCH,), 0, N_NODE, dtype=jnp.int64 if jax.config.jax_enable_x64 else jnp.int32)
    # learned parameters sized per init_kwargs: embedding_matrix = torch.tensor(node_emd_init) of shape [n_node, emb_dim]
    embedding_matrix = jax.random.normal(k3, (N_NODE, EMB_DIM), dtype=jnp.float32)
    bias = jnp.zeros((N_NODE,), dtype=jnp.float32)
    return {
        "node_id": node_id,
        "node_neighbor_id": node_neighbor_id,
        "embedding_matrix": embedding_matrix,
        "bias": bias,
    }


def reference(node_id, node_neighbor_id, embedding_matrix, bias):
    # Faithful translation of Discriminator.score(...) followed by forward (sigmoid).
    node_embedding = jnp.take(embedding_matrix, node_id, axis=0)
    node_neighbor_embedding = jnp.take(embedding_matrix, node_neighbor_id, axis=0)
    neighbor_bias = jnp.take(bias, node_neighbor_id, axis=0)
    score = jnp.sum(node_embedding * node_neighbor_embedding, axis=1) + neighbor_bias
    return jax.nn.sigmoid(score)

if __name__ == "__main__":
    import jax
    _d = setup_inputs()
    print(jax.jit(kernel)(*tuple(_d.values())))

</pallas_src>

<mosaic_0001>
#map = affine_map<(d0, d1) -> (0, 0)>
#map1 = affine_map<(d0, d1) -> (0)>
module attributes {stable_mosaic.version = 14 : i64} {
  func.func @_disc_kernel(%arg0: i32, %arg1: i32, %arg2: memref<128x128xi32, #tpu.memory_space<hbm>>, %arg3: memref<128x128xi32, #tpu.memory_space<hbm>>, %arg4: memref<100000x128xf32, #tpu.memory_space<hbm>>, %arg5: memref<100000xf32, #tpu.memory_space<hbm>>, %arg6: memref<16384xf32, #tpu.memory_space<hbm>>, %arg7: memref<4x128xi32, #tpu.memory_space<vmem>>, %arg8: memref<4x128xi32, #tpu.memory_space<vmem>>, %arg9: memref<256x128xf32, #tpu.memory_space<vmem>>, %arg10: memref<256x128xf32, #tpu.memory_space<vmem>>, %arg11: memref<512xf32, #tpu.memory_space<vmem>>, %arg12: memref<512xf32, #tpu.memory_space<vmem>>, %arg13: memref<16x17xf32, #tpu.memory_space<vmem>>, %arg14: memref<!tpu.dma_semaphore, #tpu.memory_space<semaphore_mem>>, %arg15: memref<!tpu.dma_semaphore, #tpu.memory_space<semaphore_mem>>, %arg16: memref<!tpu.dma_semaphore, #tpu.memory_space<semaphore_mem>>) attributes {dimension_semantics = [#tpu.dimension_semantics<core_parallel>, #tpu.dimension_semantics<subcore_parallel>], iteration_bounds = array<i64: 2, 16>, scalar_prefetch = 0 : i64, scratch_operands = 10 : i64, tpu.core_type = #tpu.core_type<sc_vector_subcore>, window_params = [{transform_indices = #map}, {transform_indices = #map}, {transform_indices = #map}, {transform_indices = #map1}, {transform_indices = #map1}]} {
    %mul3A = arith.constant 16 : i32
    %mul3A_0 = arith.muli %arg0, %mul3A : i32
    %add3A = arith.addi %mul3A_0, %arg1 : i32
    %mul3A_1 = arith.constant 4 : i32
    %mul3A_2 = arith.muli %add3A, %mul3A_1 : i32
    %dma_start3A = arith.constant 0 : i32
    %dma_start3A_3 = tpu.memref_slice %arg2[%mul3A_2, %dma_start3A] : memref<128x128xi32, #tpu.memory_space<hbm>> -> memref<4x128xi32, #tpu.memory_space<hbm>>
    %dma_start3A_4 = arith.constant 0 : i32
    %dma_start3A_5 = tpu.memref_slice %arg2[%mul3A_2, %dma_start3A_4] : memref<128x128xi32, #tpu.memory_space<hbm>> -> memref<4x128xi32, #tpu.memory_space<hbm>>
    tpu.enqueue_dma source(%dma_start3A_5 : memref<4x128xi32, #tpu.memory_space<hbm>>) target(%arg7 : memref<4x128xi32, #tpu.memory_space<vmem>>) target_semaphore(%arg14 : memref<!tpu.dma_semaphore, #tpu.memory_space<semaphore_mem>>)
    %dma_start3A_6 = arith.constant 0 : i32
    %dma_start3A_7 = tpu.memref_slice %arg3[%mul3A_2, %dma_start3A_6] : memref<128x128xi32, #tpu.memory_space<hbm>> -> memref<4x128xi32, #tpu.memory_space<hbm>>
    %dma_start3A_8 = arith.constant 0 : i32
    %dma_start3A_9 = tpu.memref_slice %arg3[%mul3A_2, %dma_start3A_8] : memref<128x128xi32, #tpu.memory_space<hbm>> -> memref<4x128xi32, #tpu.memory_space<hbm>>
    tpu.enqueue_dma source(%dma_start3A_9 : memref<4x128xi32, #tpu.memory_space<hbm>>) target(%arg8 : memref<4x128xi32, #tpu.memory_space<vmem>>) target_semaphore(%arg15 : memref<!tpu.dma_semaphore, #tpu.memory_space<semaphore_mem>>)
    %dma_wait3A = arith.constant 0 : i32
    %dma_wait3A_10 = tpu.memref_slice %arg2[%mul3A_2, %dma_wait3A] : memref<128x128xi32, #tpu.memory_space<hbm>> -> memref<4x128xi32, #tpu.memory_space<hbm>>
    %dma_wait3A_11 = arith.constant 0 : i32
    %dma_wait3A_12 = tpu.memref_slice %arg2[%mul3A_2, %dma_wait3A_11] : memref<128x128xi32, #tpu.memory_space<hbm>> -> memref<4x128xi32, #tpu.memory_space<hbm>>
    tpu.wait_dma2 semaphore(%arg14 : memref<!tpu.dma_semaphore, #tpu.memory_space<semaphore_mem>>) src(%dma_wait3A_12 : memref<4x128xi32, #tpu.memory_space<hbm>>) dst(%arg7 : memref<4x128xi32, #tpu.memory_space<vmem>>)
    %dma_wait3A_13 = arith.constant 0 : i32
    %dma_wait3A_14 = tpu.memref_slice %arg3[%mul3A_2, %dma_wait3A_13] : memref<128x128xi32, #tpu.memory_space<hbm>> -> memref<4x128xi32, #tpu.memory_space<hbm>>
    %dma_wait3A_15 = arith.constant 0 : i32
    %dma_wait3A_16 = tpu.memref_slice %arg3[%mul3A_2, %dma_wait3A_15] : memref<128x128xi32, #tpu.memory_space<hbm>> -> memref<4x128xi32, #tpu.memory_space<hbm>>
    tpu.wait_dma2 semaphore(%arg15 : memref<!tpu.dma_semaphore, #tpu.memory_space<semaphore_mem>>) src(%dma_wait3A_16 : memref<4x128xi32, #tpu.memory_space<hbm>>) dst(%arg8 : memref<4x128xi32, #tpu.memory_space<vmem>>)
    %dma_start3A_17 = arith.constant 0 : i32
    %dma_start3A_18 = arith.constant 0 : i32
    %dma_start3A_19 = tpu.memref_slice %arg11[%dma_start3A_18] : memref<512xf32, #tpu.memory_space<vmem>> -> memref<128xf32, #tpu.memory_space<vmem>>
    %dma_start3A_20 = arith.constant 0 : i32
    %dma_start3A_21 = tpu.memref_slice %arg8[%dma_start3A_17, %dma_start3A_20] : memref<4x128xi32, #tpu.memory_space<vmem>> -> memref<1x128xi32, #tpu.memory_space<vmem>>
    %dma_start3A_22 = tpu.memref_squeeze %dma_start3A_21 : memref<1x128xi32, #tpu.memory_space<vmem>> -> memref<128xi32, #tpu.memory_space<vmem>>
    %dma_start3A_23 = arith.constant 0 : i32
    %dma_start3A_24 = tpu.memref_slice %arg5[%dma_start3A_23] : memref<100000xf32, #tpu.memory_space<hbm>> -> memref<100000xf32, #tpu.memory_space<hbm>>
    tpu.enqueue_indirect_dma source(%dma_start3A_24 : memref<100000xf32, #tpu.memory_space<hbm>>) target(%dma_start3A_19 : memref<128xf32, #tpu.memory_space<vmem>>) offsets(%dma_start3A_22 : memref<128xi32, #tpu.memory_space<vmem>>) semaphore(%arg16 : memref<!tpu.dma_semaphore, #tpu.memory_space<semaphore_mem>>)
    %dma_start3A_25 = arith.constant 1 : i32
    %dma_start3A_26 = arith.constant 128 : i32
    %dma_start3A_27 = tpu.memref_slice %arg11[%dma_start3A_26] : memref<512xf32, #tpu.memory_space<vmem>> -> memref<128xf32, #tpu.memory_space<vmem>>
    %dma_start3A_28 = arith.constant 0 : i32
    %dma_start3A_29 = tpu.memref_slice %arg8[%dma_start3A_25, %dma_start3A_28] : memref<4x128xi32, #tpu.memory_space<vmem>> -> memref<1x128xi32, #tpu.memory_space<vmem>>
    %dma_start3A_30 = tpu.memref_squeeze %dma_start3A_29 : memref<1x128xi32, #tpu.memory_space<vmem>> -> memref<128xi32, #tpu.memory_space<vmem>>
    %dma_start3A_31 = arith.constant 0 : i32
    %dma_start3A_32 = tpu.memref_slice %arg5[%dma_start3A_31] : memref<100000xf32, #tpu.memory_space<hbm>> -> memref<100000xf32, #tpu.memory_space<hbm>>
    tpu.enqueue_indirect_dma source(%dma_start3A_32 : memref<100000xf32, #tpu.memory_space<hbm>>) target(%dma_start3A_27 : memref<128xf32, #tpu.memory_space<vmem>>) offsets(%dma_start3A_30 : memref<128xi32, #tpu.memory_space<vmem>>) semaphore(%arg16 : memref<!tpu.dma_semaphore, #tpu.memory_space<semaphore_mem>>)
    %dma_start3A_33 = arith.constant 2 : i32
    %dma_start3A_34 = arith.constant 256 : i32
    %dma_start3A_35 = tpu.memref_slice %arg11[%dma_start3A_34] : memref<512xf32, #tpu.memory_space<vmem>> -> memref<128xf32, #tpu.memory_space<vmem>>
    %dma_start3A_36 = arith.constant 0 : i32
    %dma_start3A_37 = tpu.memref_slice %arg8[%dma_start3A_33, %dma_start3A_36] : memref<4x128xi32, #tpu.memory_space<vmem>> -> memref<1x128xi32, #tpu.memory_space<vmem>>
    %dma_start3A_38 = tpu.memref_squeeze %dma_start3A_37 : memref<1x128xi32, #tpu.memory_space<vmem>> -> memref<128xi32, #tpu.memory_space<vmem>>
    %dma_start3A_39 = arith.constant 0 : i32
    %dma_start3A_40 = tpu.memref_slice %arg5[%dma_start3A_39] : memref<100000xf32, #tpu.memory_space<hbm>> -> memref<100000xf32, #tpu.memory_space<hbm>>
    tpu.enqueue_indirect_dma source(%dma_start3A_40 : memref<100000xf32, #tpu.memory_space<hbm>>) target(%dma_start3A_35 : memref<128xf32, #tpu.memory_space<vmem>>) offsets(%dma_start3A_38 : memref<128xi32, #tpu.memory_space<vmem>>) semaphore(%arg16 : memref<!tpu.dma_semaphore, #tpu.memory_space<semaphore_mem>>)
    %dma_start3A_41 = arith.constant 3 : i32
    %dma_start3A_42 = arith.constant 384 : i32
    %dma_start3A_43 = tpu.memref_slice %arg11[%dma_start3A_42] : memref<512xf32, #tpu.memory_space<vmem>> -> memref<128xf32, #tpu.memory_space<vmem>>
    %dma_start3A_44 = arith.constant 0 : i32
    %dma_start3A_45 = tpu.memref_slice %arg8[%dma_start3A_41, %dma_start3A_44] : memref<4x128xi32, #tpu.memory_space<vmem>> -> memref<1x128xi32, #tpu.memory_space<vmem>>
    %dma_start3A_46 = tpu.memref_squeeze %dma_start3A_45 : memref<1x128xi32, #tpu.memory_space<vmem>> -> memref<128xi32, #tpu.memory_space<vmem>>
    %dma_start3A_47 = arith.constant 0 : i32
    %dma_start3A_48 = tpu.memref_slice %arg5[%dma_start3A_47] : memref<100000xf32, #tpu.memory_space<hbm>> -> memref<100000xf32, #tpu.memory_space<hbm>>
    tpu.enqueue_indirect_dma source(%dma_start3A_48 : memref<100000xf32, #tpu.memory_space<hbm>>) target(%dma_start3A_43 : memref<128xf32, #tpu.memory_space<vmem>>) offsets(%dma_start3A_46 : memref<128xi32, #tpu.memory_space<vmem>>) semaphore(%arg16 : memref<!tpu.dma_semaphore, #tpu.memory_space<semaphore_mem>>)
    %dma_start3A_49 = arith.constant 0 : i32
    %dma_start3A_50 = arith.constant 0 : i32
    %dma_start3A_51 = arith.constant 0 : i32
    %dma_start3A_52 = tpu.memref_slice %arg9[%dma_start3A_50, %dma_start3A_51] : memref<256x128xf32, #tpu.memory_space<vmem>> -> memref<128x128xf32, #tpu.memory_space<vmem>>
    %dma_start3A_53 = arith.constant 0 : i32
    %dma_start3A_54 = tpu.memref_slice %arg7[%dma_start3A_49, %dma_start3A_53] : memref<4x128xi32, #tpu.memory_space<vmem>> -> memref<1x128xi32, #tpu.memory_space<vmem>>
    %dma_start3A_55 = tpu.memref_squeeze %dma_start3A_54 : memref<1x128xi32, #tpu.memory_space<vmem>> -> memref<128xi32, #tpu.memory_space<vmem>>
    %dma_start3A_56 = arith.constant 0 : i32
    %dma_start3A_57 = arith.constant 0 : i32
    %dma_start3A_58 = tpu.memref_slice %arg4[%dma_start3A_56, %dma_start3A_57] : memref<100000x128xf32, #tpu.memory_space<hbm>> -> memref<100000x128xf32, #tpu.memory_space<hbm>>
    tpu.enqueue_indirect_dma source(%dma_start3A_58 : memref<100000x128xf32, #tpu.memory_space<hbm>>) target(%dma_start3A_52 : memref<128x128xf32, #tpu.memory_space<vmem>>) offsets(%dma_start3A_55 : memref<128xi32, #tpu.memory_space<vmem>>) semaphore(%arg14 : memref<!tpu.dma_semaphore, #tpu.memory_space<semaphore_mem>>)
    %dma_start3A_59 = arith.constant 0 : i32
    %dma_start3A_60 = arith.constant 0 : i32
    %dma_start3A_61 = arith.constant 0 : i32
    %dma_start3A_62 = tpu.memref_slice %arg10[%dma_start3A_60, %dma_start3A_61] : memref<256x128xf32, #tpu.memory_space<vmem>> -> memref<128x128xf32, #tpu.memory_space<vmem>>
    %dma_start3A_63 = arith.constant 0 : i32
    %dma_start3A_64 = tpu.memref_slice %arg8[%dma_start3A_59, %dma_start3A_63] : memref<4x128xi32, #tpu.memory_space<vmem>> -> memref<1x128xi32, #tpu.memory_space<vmem>>
    %dma_start3A_65 = tpu.memref_squeeze %dma_start3A_64 : memref<1x128xi32, #tpu.memory_space<vmem>> -> memref<128xi32, #tpu.memory_space<vmem>>
    %dma_start3A_66 = arith.constant 0 : i32
    %dma_start3A_67 = arith.constant 0 : i32
    %dma_start3A_68 = tpu.memref_slice %arg4[%dma_start3A_66, %dma_start3A_67] : memref<100000x128xf32, #tpu.memory_space<hbm>> -> memref<100000x128xf32, #tpu.memory_space<hbm>>
    tpu.enqueue_indirect_dma source(%dma_start3A_68 : memref<100000x128xf32, #tpu.memory_space<hbm>>) target(%dma_start3A_62 : memref<128x128xf32, #tpu.memory_space<vmem>>) offsets(%dma_start3A_65 : memref<128xi32, #tpu.memory_space<vmem>>) semaphore(%arg14 : memref<!tpu.dma_semaphore, #tpu.memory_space<semaphore_mem>>)
    %iota3A = tpu.iota {dimensions = array<i32: 0>} : vector<16xi32>
    %scan3A = arith.constant 0 : i32
    %scan3A_69 = arith.constant 0 : i32
    %scan3A_70 = arith.constant 4 : i32
    %scan3A_71 = arith.addi %scan3A_69, %scan3A_70 : i32
    %scan3A_72 = arith.constant 1 : i32
    scf.for %scan3A_114 = %scan3A_69 to %scan3A_71 step %scan3A_72  : i32 {
      %jit3A = arith.constant 2 : i32
      %eq3A = arith.constant 0 : i32
      %eq3A_115 = arith.cmpi eq, %jit3A, %eq3A : i32
      %jit3A_116 = arith.constant 1 : i32
      %select_n3A = arith.select %eq3A_115, %jit3A_116, %jit3A : i32
      %rem3A = arith.remsi %scan3A_114, %select_n3A : i32
      %ne3A = arith.constant 0 : i32
      %ne3A_117 = arith.cmpi ne, %rem3A, %ne3A : i32
      %lt3A = arith.constant 0 : i32
      %lt3A_118 = arith.cmpi slt, %rem3A, %lt3A : i32
      %lt3A_119 = arith.constant 0 : i32
      %lt3A_120 = arith.cmpi slt, %select_n3A, %lt3A_119 : i32
      %ne3A_121 = arith.xori %lt3A_118, %lt3A_120 : i1
      %and3A = arith.andi %ne3A_121, %ne3A_117 : i1
      %add3A_122 = arith.addi %rem3A, %select_n3A : i32
      %select_n3A_123 = arith.select %and3A, %add3A_122, %rem3A : i32
      %eq3A_124 = arith.constant 0 : i32
      %eq3A_125 = arith.cmpi eq, %select_n3A_123, %eq3A_124 : i32
      %jit3A_126 = arith.constant 0 : i32
      %jit3A_127 = arith.constant 128 : i32
      %select_n3A_128 = arith.select %eq3A_125, %jit3A_126, %jit3A_127 : i32
      %add3A_129 = arith.constant 1 : i32
      %add3A_130 = arith.addi %scan3A_114, %add3A_129 : i32
      %lt3A_131 = arith.constant 4 : i32
      %lt3A_132 = arith.cmpi slt, %add3A_130, %lt3A_131 : i32
      %and3A_133 = arith.andi %lt3A_132, %eq3A_125 : i1
      %convert_element_type3A = arith.extui %and3A_133 : i1 to i32
      %cond3A = arith.constant 0 : i32
      %cond3A_134 = arith.cmpi ne, %convert_element_type3A, %cond3A : i32
      scf.if %cond3A_134 {
        %add3A_158 = arith.constant 1 : i32
        %add3A_159 = arith.addi %scan3A_114, %add3A_158 : i32
        %dma_start3A_160 = arith.constant 128 : i32
        %dma_start3A_161 = arith.constant 0 : i32
        %dma_start3A_162 = tpu.memref_slice %arg9[%dma_start3A_160, %dma_start3A_161] : memref<256x128xf32, #tpu.memory_space<vmem>> -> memref<128x128xf32, #tpu.memory_space<vmem>>
        %dma_start3A_163 = arith.constant 0 : i32
        %dma_start3A_164 = tpu.memref_slice %arg7[%add3A_159, %dma_start3A_163] : memref<4x128xi32, #tpu.memory_space<vmem>> -> memref<1x128xi32, #tpu.memory_space<vmem>>
        %dma_start3A_165 = tpu.memref_squeeze %dma_start3A_164 : memref<1x128xi32, #tpu.memory_space<vmem>> -> memref<128xi32, #tpu.memory_space<vmem>>
        %dma_start3A_166 = arith.constant 0 : i32
        %dma_start3A_167 = arith.constant 0 : i32
        %dma_start3A_168 = tpu.memref_slice %arg4[%dma_start3A_166, %dma_start3A_167] : memref<100000x128xf32, #tpu.memory_space<hbm>> -> memref<100000x128xf32, #tpu.memory_space<hbm>>
        tpu.enqueue_indirect_dma source(%dma_start3A_168 : memref<100000x128xf32, #tpu.memory_space<hbm>>) target(%dma_start3A_162 : memref<128x128xf32, #tpu.memory_space<vmem>>) offsets(%dma_start3A_165 : memref<128xi32, #tpu.memory_space<vmem>>) semaphore(%arg15 : memref<!tpu.dma_semaphore, #tpu.memory_space<semaphore_mem>>)
        %dma_start3A_169 = arith.constant 128 : i32
        %dma_start3A_170 = arith.constant 0 : i32
        %dma_start3A_171 = tpu.memref_slice %arg10[%dma_start3A_169, %dma_start3A_170] : memref<256x128xf32, #tpu.memory_space<vmem>> -> memref<128x128xf32, #tpu.memory_space<vmem>>
        %dma_start3A_172 = arith.constant 0 : i32
        %dma_start3A_173 = tpu.memref_slice %arg8[%add3A_159, %dma_start3A_172] : memref<4x128xi32, #tpu.memory_space<vmem>> -> memref<1x128xi32, #tpu.memory_space<vmem>>
        %dma_start3A_174 = tpu.memref_squeeze %dma_start3A_173 : memref<1x128xi32, #tpu.memory_space<vmem>> -> memref<128xi32, #tpu.memory_space<vmem>>
        %dma_start3A_175 = arith.constant 0 : i32
        %dma_start3A_176 = arith.constant 0 : i32
        %dma_start3A_177 = tpu.memref_slice %arg4[%dma_start3A_175, %dma_start3A_176] : memref<100000x128xf32, #tpu.memory_space<hbm>> -> memref<100000x128xf32, #tpu.memory_space<hbm>>
        tpu.enqueue_indirect_dma source(%dma_start3A_177 : memref<100000x128xf32, #tpu.memory_space<hbm>>) target(%dma_start3A_171 : memref<128x128xf32, #tpu.memory_space<vmem>>) offsets(%dma_start3A_174 : memref<128xi32, #tpu.memory_space<vmem>>) semaphore(%arg15 : memref<!tpu.dma_semaphore, #tpu.memory_space<semaphore_mem>>)
      } else {
      }
      %add3A_135 = arith.constant 1 : i32
      %add3A_136 = arith.addi %scan3A_114, %add3A_135 : i32
      %lt3A_137 = arith.constant 4 : i32
      %lt3A_138 = arith.cmpi slt, %add3A_136, %lt3A_137 : i32
      %not3A = arith.constant true
      %not3A_139 = arith.xori %eq3A_125, %not3A : i1
      %and3A_140 = arith.andi %lt3A_138, %not3A_139 : i1
      %convert_element_type3A_141 = arith.extui %and3A_140 : i1 to i32
      %cond3A_142 = arith.constant 0 : i32
      %cond3A_143 = arith.cmpi ne, %convert_element_type3A_141, %cond3A_142 : i32
      scf.if %cond3A_143 {
        %add3A_158 = arith.constant 1 : i32
        %add3A_159 = arith.addi %scan3A_114, %add3A_158 : i32
        %dma_start3A_160 = arith.constant 0 : i32
        %dma_start3A_161 = arith.constant 0 : i32
        %dma_start3A_162 = tpu.memref_slice %arg9[%dma_start3A_160, %dma_start3A_161] : memref<256x128xf32, #tpu.memory_space<vmem>> -> memref<128x128xf32, #tpu.memory_space<vmem>>
        %dma_start3A_163 = arith.constant 0 : i32
        %dma_start3A_164 = tpu.memref_slice %arg7[%add3A_159, %dma_start3A_163] : memref<4x128xi32, #tpu.memory_space<vmem>> -> memref<1x128xi32, #tpu.memory_space<vmem>>
        %dma_start3A_165 = tpu.memref_squeeze %dma_start3A_164 : memref<1x128xi32, #tpu.memory_space<vmem>> -> memref<128xi32, #tpu.memory_space<vmem>>
        %dma_start3A_166 = arith.constant 0 : i32
        %dma_start3A_167 = arith.constant 0 : i32
        %dma_start3A_168 = tpu.memref_slice %arg4[%dma_start3A_166, %dma_start3A_167] : memref<100000x128xf32, #tpu.memory_space<hbm>> -> memref<100000x128xf32, #tpu.memory_space<hbm>>
        tpu.enqueue_indirect_dma source(%dma_start3A_168 : memref<100000x128xf32, #tpu.memory_space<hbm>>) target(%dma_start3A_162 : memref<128x128xf32, #tpu.memory_space<vmem>>) offsets(%dma_start3A_165 : memref<128xi32, #tpu.memory_space<vmem>>) semaphore(%arg14 : memref<!tpu.dma_semaphore, #tpu.memory_space<semaphore_mem>>)
        %dma_start3A_169 = arith.constant 0 : i32
        %dma_start3A_170 = arith.constant 0 : i32
        %dma_start3A_171 = tpu.memref_slice %arg10[%dma_start3A_169, %dma_start3A_170] : memref<256x128xf32, #tpu.memory_space<vmem>> -> memref<128x128xf32, #tpu.memory_space<vmem>>
        %dma_start3A_172 = arith.constant 0 : i32
        %dma_start3A_173 = tpu.memref_slice %arg8[%add3A_159, %dma_start3A_172] : memref<4x128xi32, #tpu.memory_space<vmem>> -> memref<1x128xi32, #tpu.memory_space<vmem>>
        %dma_start3A_174 = tpu.memref_squeeze %dma_start3A_173 : memref<1x128xi32, #tpu.memory_space<vmem>> -> memref<128xi32, #tpu.memory_space<vmem>>
        %dma_start3A_175 = arith.constant 0 : i32
        %dma_start3A_176 = arith.constant 0 : i32
        %dma_start3A_177 = tpu.memref_slice %arg4[%dma_start3A_175, %dma_start3A_176] : memref<100000x128xf32, #tpu.memory_space<hbm>> -> memref<100000x128xf32, #tpu.memory_space<hbm>>
        tpu.enqueue_indirect_dma source(%dma_start3A_177 : memref<100000x128xf32, #tpu.memory_space<hbm>>) target(%dma_start3A_171 : memref<128x128xf32, #tpu.memory_space<vmem>>) offsets(%dma_start3A_174 : memref<128xi32, #tpu.memory_space<vmem>>) semaphore(%arg14 : memref<!tpu.dma_semaphore, #tpu.memory_space<semaphore_mem>>)
      } else {
      }
      %convert_element_type3A_144 = arith.extui %eq3A_125 : i1 to i32
      %cond3A_145 = arith.constant 0 : i32
      %cond3A_146 = arith.cmpi ne, %convert_element_type3A_144, %cond3A_145 : i32
      scf.if %cond3A_146 {
        %dma_wait3A_158 = arith.constant 0 : i32
        %dma_wait3A_159 = arith.constant 0 : i32
        %dma_wait3A_160 = tpu.memref_slice %arg9[%dma_wait3A_158, %dma_wait3A_159] : memref<256x128xf32, #tpu.memory_space<vmem>> -> memref<128x128xf32, #tpu.memory_space<vmem>>
        %dma_wait3A_161 = arith.constant 0 : i32
        %dma_wait3A_162 = arith.constant 0 : i32
        %dma_wait3A_163 = tpu.memref_slice %arg4[%dma_wait3A_161, %dma_wait3A_162] : memref<100000x128xf32, #tpu.memory_space<hbm>> -> memref<128x128xf32, #tpu.memory_space<hbm>>
        %dma_wait3A_164 = arith.constant 0 : i32
        %dma_wait3A_165 = arith.constant 0 : i32
        %dma_wait3A_166 = tpu.memref_slice %arg9[%dma_wait3A_164, %dma_wait3A_165] : memref<256x128xf32, #tpu.memory_space<vmem>> -> memref<128x128xf32, #tpu.memory_space<vmem>>
        %dma_wait3A_167 = arith.constant 0 : i32
        %dma_wait3A_168 = arith.constant 0 : i32
        %dma_wait3A_169 = tpu.memref_slice %arg4[%dma_wait3A_167, %dma_wait3A_168] : memref<100000x128xf32, #tpu.memory_space<hbm>> -> memref<128x128xf32, #tpu.memory_space<hbm>>
        tpu.wait_dma2 semaphore(%arg14 : memref<!tpu.dma_semaphore, #tpu.memory_space<semaphore_mem>>) src(%dma_wait3A_169 : memref<128x128xf32, #tpu.memory_space<hbm>>) dst(%dma_wait3A_166 : memref<128x128xf32, #tpu.memory_space<vmem>>)
        %dma_wait3A_170 = arith.constant 0 : i32
        %dma_wait3A_171 = arith.constant 0 : i32
        %dma_wait3A_172 = tpu.memref_slice %arg10[%dma_wait3A_170, %dma_wait3A_171] : memref<256x128xf32, #tpu.memory_space<vmem>> -> memref<128x128xf32, #tpu.memory_space<vmem>>
        %dma_wait3A_173 = arith.constant 0 : i32
        %dma_wait3A_174 = arith.constant 0 : i32
        %dma_wait3A_175 = tpu.memref_slice %arg4[%dma_wait3A_173, %dma_wait3A_174] : memref<100000x128xf32, #tpu.memory_space<hbm>> -> memref<128x128xf32, #tpu.memory_space<hbm>>
        %dma_wait3A_176 = arith.constant 0 : i32
        %dma_wait3A_177 = arith.constant 0 : i32
        %dma_wait3A_178 = tpu.memref_slice %arg10[%dma_wait3A_176, %dma_wait3A_177] : memref<256x128xf32, #tpu.memory_space<vmem>> -> memref<128x128xf32, #tpu.memory_space<vmem>>
        %dma_wait3A_179 = arith.constant 0 : i32
        %dma_wait3A_180 = arith.constant 0 : i32
        %dma_wait3A_181 = tpu.memref_slice %arg4[%dma_wait3A_179, %dma_wait3A_180] : memref<100000x128xf32, #tpu.memory_space<hbm>> -> memref<128x128xf32, #tpu.memory_space<hbm>>
        tpu.wait_dma2 semaphore(%arg14 : memref<!tpu.dma_semaphore, #tpu.memory_space<semaphore_mem>>) src(%dma_wait3A_181 : memref<128x128xf32, #tpu.memory_space<hbm>>) dst(%dma_wait3A_178 : memref<128x128xf32, #tpu.memory_space<vmem>>)
      } else {
      }
      %not3A_147 = arith.constant true
      %not3A_148 = arith.xori %eq3A_125, %not3A_147 : i1
      %convert_element_type3A_149 = arith.extui %not3A_148 : i1 to i32
      %cond3A_150 = arith.constant 0 : i32
      %cond3A_151 = arith.cmpi ne, %convert_element_type3A_149, %cond3A_150 : i32
      scf.if %cond3A_151 {
        %dma_wait3A_158 = arith.constant 128 : i32
        %dma_wait3A_159 = arith.constant 0 : i32
        %dma_wait3A_160 = tpu.memref_slice %arg9[%dma_wait3A_158, %dma_wait3A_159] : memref<256x128xf32, #tpu.memory_space<vmem>> -> memref<128x128xf32, #tpu.memory_space<vmem>>
        %dma_wait3A_161 = arith.constant 0 : i32
        %dma_wait3A_162 = arith.constant 0 : i32
        %dma_wait3A_163 = tpu.memref_slice %arg4[%dma_wait3A_161, %dma_wait3A_162] : memref<100000x128xf32, #tpu.memory_space<hbm>> -> memref<128x128xf32, #tpu.memory_space<hbm>>
        %dma_wait3A_164 = arith.constant 128 : i32
        %dma_wait3A_165 = arith.constant 0 : i32
        %dma_wait3A_166 = tpu.memref_slice %arg9[%dma_wait3A_164, %dma_wait3A_165] : memref<256x128xf32, #tpu.memory_space<vmem>> -> memref<128x128xf32, #tpu.memory_space<vmem>>
        %dma_wait3A_167 = arith.constant 0 : i32
        %dma_wait3A_168 = arith.constant 0 : i32
        %dma_wait3A_169 = tpu.memref_slice %arg4[%dma_wait3A_167, %dma_wait3A_168] : memref<100000x128xf32, #tpu.memory_space<hbm>> -> memref<128x128xf32, #tpu.memory_space<hbm>>
        tpu.wait_dma2 semaphore(%arg15 : memref<!tpu.dma_semaphore, #tpu.memory_space<semaphore_mem>>) src(%dma_wait3A_169 : memref<128x128xf32, #tpu.memory_space<hbm>>) dst(%dma_wait3A_166 : memref<128x128xf32, #tpu.memory_space<vmem>>)
        %dma_wait3A_170 = arith.constant 128 : i32
        %dma_wait3A_171 = arith.constant 0 : i32
        %dma_wait3A_172 = tpu.memref_slice %arg10[%dma_wait3A_170, %dma_wait3A_171] : memref<256x128xf32, #tpu.memory_space<vmem>> -> memref<128x128xf32, #tpu.memory_space<vmem>>
        %dma_wait3A_173 = arith.constant 0 : i32
        %dma_wait3A_174 = arith.constant 0 : i32
        %dma_wait3A_175 = tpu.memref_slice %arg4[%dma_wait3A_173, %dma_wait3A_174] : memref<100000x128xf32, #tpu.memory_space<hbm>> -> memref<128x128xf32, #tpu.memory_space<hbm>>
        %dma_wait3A_176 = arith.constant 128 : i32
        %dma_wait3A_177 = arith.constant 0 : i32
        %dma_wait3A_178 = tpu.memref_slice %arg10[%dma_wait3A_176, %dma_wait3A_177] : memref<256x128xf32, #tpu.memory_space<vmem>> -> memref<128x128xf32, #tpu.memory_space<vmem>>
        %dma_wait3A_179 = arith.constant 0 : i32
        %dma_wait3A_180 = arith.constant 0 : i32
        %dma_wait3A_181 = tpu.memref_slice %arg4[%dma_wait3A_179, %dma_wait3A_180] : memref<100000x128xf32, #tpu.memory_space<hbm>> -> memref<128x128xf32, #tpu.memory_space<hbm>>
        tpu.wait_dma2 semaphore(%arg15 : memref<!tpu.dma_semaphore, #tpu.memory_space<semaphore_mem>>) src(%dma_wait3A_181 : memref<128x128xf32, #tpu.memory_space<hbm>>) dst(%dma_wait3A_178 : memref<128x128xf32, #tpu.memory_space<vmem>>)
      } else {
      }
      %scan3A_152 = arith.constant 0 : i32
      %scan3A_153 = arith.constant 0 : i32
      %scan3A_154 = arith.constant 8 : i32
      %scan3A_155 = arith.addi %scan3A_153, %scan3A_154 : i32
      %scan3A_156 = arith.constant 1 : i32
      scf.for %scan3A_158 = %scan3A_153 to %scan3A_155 step %scan3A_156  : i32 {
        %mul3A_159 = arith.constant 16 : i32
        %mul3A_160 = arith.muli %scan3A_158, %mul3A_159 : i32
        %add3A_161 = arith.addi %select_n3A_128, %mul3A_160 : i32
        %add3A_162 = arith.constant 0 : i32
        %add3A_163 = arith.addi %add3A_161, %add3A_162 : i32
        %add3A_164 = arith.constant 0 : i32
        %add3A_165 = arith.addi %add3A_163, %add3A_164 : i32
        %mul3A_166 = arith.constant 16 : i32
        %mul3A_167 = arith.muli %scan3A_158, %mul3A_166 : i32
        %add3A_168 = arith.addi %select_n3A_128, %mul3A_167 : i32
        %add3A_169 = arith.constant 0 : i32
        %add3A_170 = arith.addi %add3A_168, %add3A_169 : i32
        %add3A_171 = arith.constant 1 : i32
        %add3A_172 = arith.addi %add3A_170, %add3A_171 : i32
        %mul3A_173 = arith.constant 16 : i32
        %mul3A_174 = arith.muli %scan3A_158, %mul3A_173 : i32
        %add3A_175 = arith.addi %select_n3A_128, %mul3A_174 : i32
        %add3A_176 = arith.constant 0 : i32
        %add3A_177 = arith.addi %add3A_175, %add3A_176 : i32
        %add3A_178 = arith.constant 2 : i32
        %add3A_179 = arith.addi %add3A_177, %add3A_178 : i32
        %mul3A_180 = arith.constant 16 : i32
        %mul3A_181 = arith.muli %scan3A_158, %mul3A_180 : i32
        %add3A_182 = arith.addi %select_n3A_128, %mul3A_181 : i32
        %add3A_183 = arith.constant 0 : i32
        %add3A_184 = arith.addi %add3A_182, %add3A_183 : i32
        %add3A_185 = arith.constant 3 : i32
        %add3A_186 = arith.addi %add3A_184, %add3A_185 : i32
        %get3A = arith.index_cast %add3A_165 : i32 to index
        %get3A_187 = arith.constant 0 : index
        %get3A_188 = tpu.vector_load %arg9[%get3A, %get3A_187] {strides = array<i32>} : memref<256x128xf32, #tpu.memory_space<vmem>>, vector<16xf32>,
        %get3A_189 = arith.index_cast %add3A_165 : i32 to index
        %get3A_190 = arith.constant 0 : index
        %get3A_191 = tpu.vector_load %arg10[%get3A_189, %get3A_190] {strides = array<i32>} : memref<256x128xf32, #tpu.memory_space<vmem>>, vector<16xf32>,
        %mul3A_192 = arith.mulf %get3A_188, %get3A_191 : vector<16xf32>
        %get3A_193 = arith.index_cast %add3A_172 : i32 to index
        %get3A_194 = arith.constant 0 : index
        %get3A_195 = tpu.vector_load %arg9[%get3A_193, %get3A_194] {strides = array<i32>} : memref<256x128xf32, #tpu.memory_space<vmem>>, vector<16xf32>,
        %get3A_196 = arith.index_cast %add3A_172 : i32 to index
        %get3A_197 = arith.constant 0 : index
        %get3A_198 = tpu.vector_load %arg10[%get3A_196, %get3A_197] {strides = array<i32>} : memref<256x128xf32, #tpu.memory_space<vmem>>, vector<16xf32>,
        %mul3A_199 = arith.mulf %get3A_195, %get3A_198 : vector<16xf32>
        %get3A_200 = arith.index_cast %add3A_179 : i32 to index
        %get3A_201 = arith.constant 0 : index
        %get3A_202 = tpu.vector_load %arg9[%get3A_200, %get3A_201] {strides = array<i32>} : memref<256x128xf32, #tpu.memory_space<vmem>>, vector<16xf32>,
        %get3A_203 = arith.index_cast %add3A_179 : i32 to index
        %get3A_204 = arith.constant 0 : index
        %get3A_205 = tpu.vector_load %arg10[%get3A_203, %get3A_204] {strides = array<i32>} : memref<256x128xf32, #tpu.memory_space<vmem>>, vector<16xf32>,
        %mul3A_206 = arith.mulf %get3A_202, %get3A_205 : vector<16xf32>
        %get3A_207 = arith.index_cast %add3A_186 : i32 to index
        %get3A_208 = arith.constant 0 : index
        %get3A_209 = tpu.vector_load %arg9[%get3A_207, %get3A_208] {strides = array<i32>} : memref<256x128xf32, #tpu.memory_space<vmem>>, vector<16xf32>,
        %get3A_210 = arith.index_cast %add3A_186 : i32 to index
        %get3A_211 = arith.constant 0 : index
        %get3A_212 = tpu.vector_load %arg10[%get3A_210, %get3A_211] {strides = array<i32>} : memref<256x128xf32, #tpu.memory_space<vmem>>, vector<16xf32>,
        %mul3A_213 = arith.mulf %get3A_209, %get3A_212 : vector<16xf32>
        %get3A_214 = arith.index_cast %add3A_165 : i32 to index
        %get3A_215 = arith.constant 16 : index
        %get3A_216 = tpu.vector_load %arg9[%get3A_214, %get3A_215] {strides = array<i32>} : memref<256x128xf32, #tpu.memory_space<vmem>>, vector<16xf32>,
        %get3A_217 = arith.index_cast %add3A_165 : i32 to index
        %get3A_218 = arith.constant 16 : index
        %get3A_219 = tpu.vector_load %arg10[%get3A_217, %get3A_218] {strides = array<i32>} : memref<256x128xf32, #tpu.memory_space<vmem>>, vector<16xf32>,
        %mul3A_220 = arith.mulf %get3A_216, %get3A_219 : vector<16xf32>
        %add3A_221 = arith.addf %mul3A_192, %mul3A_220 : vector<16xf32>
        %get3A_222 = arith.index_cast %add3A_172 : i32 to index
        %get3A_223 = arith.constant 16 : index
        %get3A_224 = tpu.vector_load %arg9[%get3A_222, %get3A_223] {strides = array<i32>} : memref<256x128xf32, #tpu.memory_space<vmem>>, vector<16xf32>,
        %get3A_225 = arith.index_cast %add3A_172 : i32 to index
        %get3A_226 = arith.constant 16 : index
        %get3A_227 = tpu.vector_load %arg10[%get3A_225, %get3A_226] {strides = array<i32>} : memref<256x128xf32, #tpu.memory_space<vmem>>, vector<16xf32>,
        %mul3A_228 = arith.mulf %get3A_224, %get3A_227 : vector<16xf32>
        %add3A_229 = arith.addf %mul3A_199, %mul3A_228 : vector<16xf32>
        %get3A_230 = arith.index_cast %add3A_179 : i32 to index
        %get3A_231 = arith.constant 16 : index
        %get3A_232 = tpu.vector_load %arg9[%get3A_230, %get3A_231] {strides = array<i32>} : memref<256x128xf32, #tpu.memory_space<vmem>>, vector<16xf32>,
        %get3A_233 = arith.index_cast %add3A_179 : i32 to index
        %get3A_234 = arith.constant 16 : index
        %get3A_235 = tpu.vector_load %arg10[%get3A_233, %get3A_234] {strides = array<i32>} : memref<256x128xf32, #tpu.memory_space<vmem>>, vector<16xf32>,
        %mul3A_236 = arith.mulf %get3A_232, %get3A_235 : vector<16xf32>
        %add3A_237 = arith.addf %mul3A_206, %mul3A_236 : vector<16xf32>
        %get3A_238 = arith.index_cast %add3A_186 : i32 to index
        %get3A_239 = arith.constant 16 : index
        %get3A_240 = tpu.vector_load %arg9[%get3A_238, %get3A_239] {strides = array<i32>} : memref<256x128xf32, #tpu.memory_space<vmem>>, vector<16xf32>,
        %get3A_241 = arith.index_cast %add3A_186 : i32 to index
        %get3A_242 = arith.constant 16 : index
        %get3A_243 = tpu.vector_load %arg10[%get3A_241, %get3A_242] {strides = array<i32>} : memref<256x128xf32, #tpu.memory_space<vmem>>, vector<16xf32>,
        %mul3A_244 = arith.mulf %get3A_240, %get3A_243 : vector<16xf32>
        %add3A_245 = arith.addf %mul3A_213, %mul3A_244 : vector<16xf32>
        %get3A_246 = arith.index_cast %add3A_165 : i32 to index
        %get3A_247 = arith.constant 32 : index
        %get3A_248 = tpu.vector_load %arg9[%get3A_246, %get3A_247] {strides = array<i32>} : memref<256x128xf32, #tpu.memory_space<vmem>>, vector<16xf32>,
        %get3A_249 = arith.index_cast %add3A_165 : i32 to index
        %get3A_250 = arith.constant 32 : index
        %get3A_251 = tpu.vector_load %arg10[%get3A_249, %get3A_250] {strides = array<i32>} : memref<256x128xf32, #tpu.memory_space<vmem>>, vector<16xf32>,
        %mul3A_252 = arith.mulf %get3A_248, %get3A_251 : vector<16xf32>
        %add3A_253 = arith.addf %add3A_221, %mul3A_252 : vector<16xf32>
        %get3A_254 = arith.index_cast %add3A_172 : i32 to index
        %get3A_255 = arith.constant 32 : index
        %get3A_256 = tpu.vector_load %arg9[%get3A_254, %get3A_255] {strides = array<i32>} : memref<256x128xf32, #tpu.memory_space<vmem>>, vector<16xf32>,
        %get3A_257 = arith.index_cast %add3A_172 : i32 to index
        %get3A_258 = arith.constant 32 : index
        %get3A_259 = tpu.vector_load %arg10[%get3A_257, %get3A_258] {strides = array<i32>} : memref<256x128xf32, #tpu.memory_space<vmem>>, vector<16xf32>,
        %mul3A_260 = arith.mulf %get3A_256, %get3A_259 : vector<16xf32>
        %add3A_261 = arith.addf %add3A_229, %mul3A_260 : vector<16xf32>
        %get3A_262 = arith.index_cast %add3A_179 : i32 to index
        %get3A_263 = arith.constant 32 : index
        %get3A_264 = tpu.vector_load %arg9[%get3A_262, %get3A_263] {strides = array<i32>} : memref<256x128xf32, #tpu.memory_space<vmem>>, vector<16xf32>,
        %get3A_265 = arith.index_cast %add3A_179 : i32 to index
        %get3A_266 = arith.constant 32 : index
        %get3A_267 = tpu.vector_load %arg10[%get3A_265, %get3A_266] {strides = array<i32>} : memref<256x128xf32, #tpu.memory_space<vmem>>, vector<16xf32>,
        %mul3A_268 = arith.mulf %get3A_264, %get3A_267 : vector<16xf32>
        %add3A_269 = arith.addf %add3A_237, %mul3A_268 : vector<16xf32>
        %get3A_270 = arith.index_cast %add3A_186 : i32 to index
        %get3A_271 = arith.constant 32 : index
        %get3A_272 = tpu.vector_load %arg9[%get3A_270, %get3A_271] {strides = array<i32>} : memref<256x128xf32, #tpu.memory_space<vmem>>, vector<16xf32>,
        %get3A_273 = arith.index_cast %add3A_186 : i32 to index
        %get3A_274 = arith.constant 32 : index
        %get3A_275 = tpu.vector_load %arg10[%get3A_273, %get3A_274] {strides = array<i32>} : memref<256x128xf32, #tpu.memory_space<vmem>>, vector<16xf32>,
        %mul3A_276 = arith.mulf %get3A_272, %get3A_275 : vector<16xf32>
        %add3A_277 = arith.addf %add3A_245, %mul3A_276 : vector<16xf32>
        %get3A_278 = arith.index_cast %add3A_165 : i32 to index
        %get3A_279 = arith.constant 48 : index
        %get3A_280 = tpu.vector_load %arg9[%get3A_278, %get3A_279] {strides = array<i32>} : memref<256x128xf32, #tpu.memory_space<vmem>>, vector<16xf32>,
        %get3A_281 = arith.index_cast %add3A_165 : i32 to index
        %get3A_282 = arith.constant 48 : index
        %get3A_283 = tpu.vector_load %arg10[%get3A_281, %get3A_282] {strides = array<i32>} : memref<256x128xf32, #tpu.memory_space<vmem>>, vector<16xf32>,
        %mul3A_284 = arith.mulf %get3A_280, %get3A_283 : vector<16xf32>
        %add3A_285 = arith.addf %add3A_253, %mul3A_284 : vector<16xf32>
        %get3A_286 = arith.index_cast %add3A_172 : i32 to index
        %get3A_287 = arith.constant 48 : index
        %get3A_288 = tpu.vector_load %arg9[%get3A_286, %get3A_287] {strides = array<i32>} : memref<256x128xf32, #tpu.memory_space<vmem>>, vector<16xf32>,
        %get3A_289 = arith.index_cast %add3A_172 : i32 to index
        %get3A_290 = arith.constant 48 : index
        %get3A_291 = tpu.vector_load %arg10[%get3A_289, %get3A_290] {strides = array<i32>} : memref<256x128xf32, #tpu.memory_space<vmem>>, vector<16xf32>,
        %mul3A_292 = arith.mulf %get3A_288, %get3A_291 : vector<16xf32>
        %add3A_293 = arith.addf %add3A_261, %mul3A_292 : vector<16xf32>
        %get3A_294 = arith.index_cast %add3A_179 : i32 to index
        %get3A_295 = arith.constant 48 : index
        %get3A_296 = tpu.vector_load %arg9[%get3A_294, %get3A_295] {strides = array<i32>} : memref<256x128xf32, #tpu.memory_space<vmem>>, vector<16xf32>,
        %get3A_297 = arith.index_cast %add3A_179 : i32 to index
        %get3A_298 = arith.constant 48 : index
        %get3A_299 = tpu.vector_load %arg10[%get3A_297, %get3A_298] {strides = array<i32>} : memref<256x128xf32, #tpu.memory_space<vmem>>, vector<16xf32>,
        %mul3A_300 = arith.mulf %get3A_296, %get3A_299 : vector<16xf32>
        %add3A_301 = arith.addf %add3A_269, %mul3A_300 : vector<16xf32>
        %get3A_302 = arith.index_cast %add3A_186 : i32 to index
        %get3A_303 = arith.constant 48 : index
        %get3A_304 = tpu.vector_load %arg9[%get3A_302, %get3A_303] {strides = array<i32>} : memref<256x128xf32, #tpu.memory_space<vmem>>, vector<16xf32>,
        %get3A_305 = arith.index_cast %add3A_186 : i32 to index
        %get3A_306 = arith.constant 48 : index
        %get3A_307 = tpu.vector_load %arg10[%get3A_305, %get3A_306] {strides = array<i32>} : memref<256x128xf32, #tpu.memory_space<vmem>>, vector<16xf32>,
        %mul3A_308 = arith.mulf %get3A_304, %get3A_307 : vector<16xf32>
        %add3A_309 = arith.addf %add3A_277, %mul3A_308 : vector<16xf32>
        %get3A_310 = arith.index_cast %add3A_165 : i32 to index
        %get3A_311 = arith.constant 64 : index
        %get3A_312 = tpu.vector_load %arg9[%get3A_310, %get3A_311] {strides = array<i32>} : memref<256x128xf32, #tpu.memory_space<vmem>>, vector<16xf32>,
        %get3A_313 = arith.index_cast %add3A_165 : i32 to index
        %get3A_314 = arith.constant 64 : index
        %get3A_315 = tpu.vector_load %arg10[%get3A_313, %get3A_314] {strides = array<i32>} : memref<256x128xf32, #tpu.memory_space<vmem>>, vector<16xf32>,
        %mul3A_316 = arith.mulf %get3A_312, %get3A_315 : vector<16xf32>
        %add3A_317 = arith.addf %add3A_285, %mul3A_316 : vector<16xf32>
        %get3A_318 = arith.index_cast %add3A_172 : i32 to index
        %get3A_319 = arith.constant 64 : index
        %get3A_320 = tpu.vector_load %arg9[%get3A_318, %get3A_319] {strides = array<i32>} : memref<256x128xf32, #tpu.memory_space<vmem>>, vector<16xf32>,
        %get3A_321 = arith.index_cast %add3A_172 : i32 to index
        %get3A_322 = arith.constant 64 : index
        %get3A_323 = tpu.vector_load %arg10[%get3A_321, %get3A_322] {strides = array<i32>} : memref<256x128xf32, #tpu.memory_space<vmem>>, vector<16xf32>,
        %mul3A_324 = arith.mulf %get3A_320, %get3A_323 : vector<16xf32>
        %add3A_325 = arith.addf %add3A_293, %mul3A_324 : vector<16xf32>
        %get3A_326 = arith.index_cast %add3A_179 : i32 to index
        %get3A_327 = arith.constant 64 : index
        %get3A_328 = tpu.vector_load %arg9[%get3A_326, %get3A_327] {strides = array<i32>} : memref<256x128xf32, #tpu.memory_space<vmem>>, vector<16xf32>,
        %get3A_329 = arith.index_cast %add3A_179 : i32 to index
        %get3A_330 = arith.constant 64 : index
        %get3A_331 = tpu.vector_load %arg10[%get3A_329, %get3A_330] {strides = array<i32>} : memref<256x128xf32, #tpu.memory_space<vmem>>, vector<16xf32>,
        %mul3A_332 = arith.mulf %get3A_328, %get3A_331 : vector<16xf32>
        %add3A_333 = arith.addf %add3A_301, %mul3A_332 : vector<16xf32>
        %get3A_334 = arith.index_cast %add3A_186 : i32 to index
        %get3A_335 = arith.constant 64 : index
        %get3A_336 = tpu.vector_load %arg9[%get3A_334, %get3A_335] {strides = array<i32>} : memref<256x128xf32, #tpu.memory_space<vmem>>, vector<16xf32>,
        %get3A_337 = arith.index_cast %add3A_186 : i32 to index
        %get3A_338 = arith.constant 64 : index
        %get3A_339 = tpu.vector_load %arg10[%get3A_337, %get3A_338] {strides = array<i32>} : memref<256x128xf32, #tpu.memory_space<vmem>>, vector<16xf32>,
        %mul3A_340 = arith.mulf %get3A_336, %get3A_339 : vector<16xf32>
        %add3A_341 = arith.addf %add3A_309, %mul3A_340 : vector<16xf32>
        %get3A_342 = arith.index_cast %add3A_165 : i32 to index
        %get3A_343 = arith.constant 80 : index
        %get3A_344 = tpu.vector_load %arg9[%get3A_342, %get3A_343] {strides = array<i32>} : memref<256x128xf32, #tpu.memory_space<vmem>>, vector<16xf32>,
        %get3A_345 = arith.index_cast %add3A_165 : i32 to index
        %get3A_346 = arith.constant 80 : index
        %get3A_347 = tpu.vector_load %arg10[%get3A_345, %get3A_346] {strides = array<i32>} : memref<256x128xf32, #tpu.memory_space<vmem>>, vector<16xf32>,
        %mul3A_348 = arith.mulf %get3A_344, %get3A_347 : vector<16xf32>
        %add3A_349 = arith.addf %add3A_317, %mul3A_348 : vector<16xf32>
        %get3A_350 = arith.index_cast %add3A_172 : i32 to index
        %get3A_351 = arith.constant 80 : index
        %get3A_352 = tpu.vector_load %arg9[%get3A_350, %get3A_351] {strides = array<i32>} : memref<256x128xf32, #tpu.memory_space<vmem>>, vector<16xf32>,
        %get3A_353 = arith.index_cast %add3A_172 : i32 to index
        %get3A_354 = arith.constant 80 : index
        %get3A_355 = tpu.vector_load %arg10[%get3A_353, %get3A_354] {strides = array<i32>} : memref<256x128xf32, #tpu.memory_space<vmem>>, vector<16xf32>,
        %mul3A_356 = arith.mulf %get3A_352, %get3A_355 : vector<16xf32>
        %add3A_357 = arith.addf %add3A_325, %mul3A_356 : vector<16xf32>
        %get3A_358 = arith.index_cast %add3A_179 : i32 to index
        %get3A_359 = arith.constant 80 : index
        %get3A_360 = tpu.vector_load %arg9[%get3A_358, %get3A_359] {strides = array<i32>} : memref<256x128xf32, #tpu.memory_space<vmem>>, vector<16xf32>,
        %get3A_361 = arith.index_cast %add3A_179 : i32 to index
        %get3A_362 = arith.constant 80 : index
        %get3A_363 = tpu.vector_load %arg10[%get3A_361, %get3A_362] {strides = array<i32>} : memref<256x128xf32, #tpu.memory_space<vmem>>, vector<16xf32>,
        %mul3A_364 = arith.mulf %get3A_360, %get3A_363 : vector<16xf32>
        %add3A_365 = arith.addf %add3A_333, %mul3A_364 : vector<16xf32>
        %get3A_366 = arith.index_cast %add3A_186 : i32 to index
        %get3A_367 = arith.constant 80 : index
        %get3A_368 = tpu.vector_load %arg9[%get3A_366, %get3A_367] {strides = array<i32>} : memref<256x128xf32, #tpu.memory_space<vmem>>, vector<16xf32>,
        %get3A_369 = arith.index_cast %add3A_186 : i32 to index
        %get3A_370 = arith.constant 80 : index
        %get3A_371 = tpu.vector_load %arg10[%get3A_369, %get3A_370] {strides = array<i32>} : memref<256x128xf32, #tpu.memory_space<vmem>>, vector<16xf32>,
        %mul3A_372 = arith.mulf %get3A_368, %get3A_371 : vector<16xf32>
        %add3A_373 = arith.addf %add3A_341, %mul3A_372 : vector<16xf32>
        %get3A_374 = arith.index_cast %add3A_165 : i32 to index
        %get3A_375 = arith.constant 96 : index
        %get3A_376 = tpu.vector_load %arg9[%get3A_374, %get3A_375] {strides = array<i32>} : memref<256x128xf32, #tpu.memory_space<vmem>>, vector<16xf32>,
        %get3A_377 = arith.index_cast %add3A_165 : i32 to index
        %get3A_378 = arith.constant 96 : index
        %get3A_379 = tpu.vector_load %arg10[%get3A_377, %get3A_378] {strides = array<i32>} : memref<256x128xf32, #tpu.memory_space<vmem>>, vector<16xf32>,
        %mul3A_380 = arith.mulf %get3A_376, %get3A_379 : vector<16xf32>
        %add3A_381 = arith.addf %add3A_349, %mul3A_380 : vector<16xf32>
        %get3A_382 = arith.index_cast %add3A_172 : i32 to index
        %get3A_383 = arith.constant 96 : index
        %get3A_384 = tpu.vector_load %arg9[%get3A_382, %get3A_383] {strides = array<i32>} : memref<256x128xf32, #tpu.memory_space<vmem>>, vector<16xf32>,
        %get3A_385 = arith.index_cast %add3A_172 : i32 to index
        %get3A_386 = arith.constant 96 : index
        %get3A_387 = tpu.vector_load %arg10[%get3A_385, %get3A_386] {strides = array<i32>} : memref<256x128xf32, #tpu.memory_space<vmem>>, vector<16xf32>,
        %mul3A_388 = arith.mulf %get3A_384, %get3A_387 : vector<16xf32>
        %add3A_389 = arith.addf %add3A_357, %mul3A_388 : vector<16xf32>
        %get3A_390 = arith.index_cast %add3A_179 : i32 to index
        %get3A_391 = arith.constant 96 : index
        %get3A_392 = tpu.vector_load %arg9[%get3A_390, %get3A_391] {strides = array<i32>} : memref<256x128xf32, #tpu.memory_space<vmem>>, vector<16xf32>,
        %get3A_393 = arith.index_cast %add3A_179 : i32 to index
        %get3A_394 = arith.constant 96 : index
        %get3A_395 = tpu.vector_load %arg10[%get3A_393, %get3A_394] {strides = array<i32>} : memref<256x128xf32, #tpu.memory_space<vmem>>, vector<16xf32>,
        %mul3A_396 = arith.mulf %get3A_392, %get3A_395 : vector<16xf32>
        %add3A_397 = arith.addf %add3A_365, %mul3A_396 : vector<16xf32>
        %get3A_398 = arith.index_cast %add3A_186 : i32 to index
        %get3A_399 = arith.constant 96 : index
        %get3A_400 = tpu.vector_load %arg9[%get3A_398, %get3A_399] {strides = array<i32>} : memref<256x128xf32, #tpu.memory_space<vmem>>, vector<16xf32>,
        %get3A_401 = arith.index_cast %add3A_186 : i32 to index
        %get3A_402 = arith.constant 96 : index
        %get3A_403 = tpu.vector_load %arg10[%get3A_401, %get3A_402] {strides = array<i32>} : memref<256x128xf32, #tpu.memory_space<vmem>>, vector<16xf32>,
        %mul3A_404 = arith.mulf %get3A_400, %get3A_403 : vector<16xf32>
        %add3A_405 = arith.addf %add3A_373, %mul3A_404 : vector<16xf32>
        %get3A_406 = arith.index_cast %add3A_165 : i32 to index
        %get3A_407 = arith.constant 112 : index
        %get3A_408 = tpu.vector_load %arg9[%get3A_406, %get3A_407] {strides = array<i32>} : memref<256x128xf32, #tpu.memory_space<vmem>>, vector<16xf32>,
        %get3A_409 = arith.index_cast %add3A_165 : i32 to index
        %get3A_410 = arith.constant 112 : index
        %get3A_411 = tpu.vector_load %arg10[%get3A_409, %get3A_410] {strides = array<i32>} : memref<256x128xf32, #tpu.memory_space<vmem>>, vector<16xf32>,
        %mul3A_412 = arith.mulf %get3A_408, %get3A_411 : vector<16xf32>
        %add3A_413 = arith.addf %add3A_381, %mul3A_412 : vector<16xf32>
        %get3A_414 = arith.index_cast %add3A_172 : i32 to index
        %get3A_415 = arith.constant 112 : index
        %get3A_416 = tpu.vector_load %arg9[%get3A_414, %get3A_415] {strides = array<i32>} : memref<256x128xf32, #tpu.memory_space<vmem>>, vector<16xf32>,
        %get3A_417 = arith.index_cast %add3A_172 : i32 to index
        %get3A_418 = arith.constant 112 : index
        %get3A_419 = tpu.vector_load %arg10[%get3A_417, %get3A_418] {strides = array<i32>} : memref<256x128xf32, #tpu.memory_space<vmem>>, vector<16xf32>,
        %mul3A_420 = arith.mulf %get3A_416, %get3A_419 : vector<16xf32>
        %add3A_421 = arith.addf %add3A_389, %mul3A_420 : vector<16xf32>
        %get3A_422 = arith.index_cast %add3A_179 : i32 to index
        %get3A_423 = arith.constant 112 : index
        %get3A_424 = tpu.vector_load %arg9[%get3A_422, %get3A_423] {strides = array<i32>} : memref<256x128xf32, #tpu.memory_space<vmem>>, vector<16xf32>,
        %get3A_425 = arith.index_cast %add3A_179 : i32 to index
        %get3A_426 = arith.constant 112 : index
        %get3A_427 = tpu.vector_load %arg10[%get3A_425, %get3A_426] {strides = array<i32>} : memref<256x128xf32, #tpu.memory_space<vmem>>, vector<16xf32>,
        %mul3A_428 = arith.mulf %get3A_424, %get3A_427 : vector<16xf32>
        %add3A_429 = arith.addf %add3A_397, %mul3A_428 : vector<16xf32>
        %get3A_430 = arith.index_cast %add3A_186 : i32 to index
        %get3A_431 = arith.constant 112 : index
        %get3A_432 = tpu.vector_load %arg9[%get3A_430, %get3A_431] {strides = array<i32>} : memref<256x128xf32, #tpu.memory_space<vmem>>, vector<16xf32>,
        %get3A_433 = arith.index_cast %add3A_186 : i32 to index
        %get3A_434 = arith.constant 112 : index
        %get3A_435 = tpu.vector_load %arg10[%get3A_433, %get3A_434] {strides = array<i32>} : memref<256x128xf32, #tpu.memory_space<vmem>>, vector<16xf32>,
        %mul3A_436 = arith.mulf %get3A_432, %get3A_435 : vector<16xf32>
        %add3A_437 = arith.addf %add3A_405, %mul3A_436 : vector<16xf32>
        %swap3A = arith.constant 0 : i32
        %swap3A_438 = arith.index_cast %swap3A : i32 to index
        %swap3A_439 = arith.constant 0 : index
        %swap3A_440 = tpu.vector_load %arg13[%swap3A_438, %swap3A_439] {strides = array<i32>} : memref<16x17xf32, #tpu.memory_space<vmem>>, vector<16xf32>,
        tpu.vector_store %arg13[%swap3A_438, %swap3A_439], %add3A_413 {strides = array<i32>} : memref<16x17xf32, #tpu.memory_space<vmem>>, vector<16xf32>,
        %swap3A_441 = arith.constant 1 : i32
        %swap3A_442 = arith.index_cast %swap3A_441 : i32 to index
        %swap3A_443 = arith.constant 0 : index
        %swap3A_444 = tpu.vector_load %arg13[%swap3A_442, %swap3A_443] {strides = array<i32>} : memref<16x17xf32, #tpu.memory_space<vmem>>, vector<16xf32>,
        tpu.vector_store %arg13[%swap3A_442, %swap3A_443], %add3A_421 {strides = array<i32>} : memref<16x17xf32, #tpu.memory_space<vmem>>, vector<16xf32>,
        %swap3A_445 = arith.constant 2 : i32
        %swap3A_446 = arith.index_cast %swap3A_445 : i32 to index
        %swap3A_447 = arith.constant 0 : index
        %swap3A_448 = tpu.vector_load %arg13[%swap3A_446, %swap3A_447] {strides = array<i32>} : memref<16x17xf32, #tpu.memory_space<vmem>>, vector<16xf32>,
        tpu.vector_store %arg13[%swap3A_446, %swap3A_447], %add3A_429 {strides = array<i32>} : memref<16x17xf32, #tpu.memory_space<vmem>>, vector<16xf32>,
        %swap3A_449 = arith.constant 3 : i32
        %swap3A_450 = arith.index_cast %swap3A_449 : i32 to index
        %swap3A_451 = arith.constant 0 : index
        %swap3A_452 = tpu.vector_load %arg13[%swap3A_450, %swap3A_451] {strides = array<i32>} : memref<16x17xf32, #tpu.memory_space<vmem>>, vector<16xf32>,
        tpu.vector_store %arg13[%swap3A_450, %swap3A_451], %add3A_437 {strides = array<i32>} : memref<16x17xf32, #tpu.memory_space<vmem>>, vector<16xf32>,
        %mul3A_453 = arith.constant 16 : i32
        %mul3A_454 = arith.muli %scan3A_158, %mul3A_453 : i32
        %add3A_455 = arith.addi %select_n3A_128, %mul3A_454 : i32
        %add3A_456 = arith.constant 4 : i32
        %add3A_457 = arith.addi %add3A_455, %add3A_456 : i32
        %add3A_458 = arith.constant 0 : i32
        %add3A_459 = arith.addi %add3A_457, %add3A_458 : i32
        %mul3A_460 = arith.constant 16 : i32
        %mul3A_461 = arith.muli %scan3A_158, %mul3A_460 : i32
        %add3A_462 = arith.addi %select_n3A_128, %mul3A_461 : i32
        %add3A_463 = arith.constant 4 : i32
        %add3A_464 = arith.addi %add3A_462, %add3A_463 : i32
        %add3A_465 = arith.constant 1 : i32
        %add3A_466 = arith.addi %add3A_464, %add3A_465 : i32
        %mul3A_467 = arith.constant 16 : i32
        %mul3A_468 = arith.muli %scan3A_158, %mul3A_467 : i32
        %add3A_469 = arith.addi %select_n3A_128, %mul3A_468 : i32
        %add3A_470 = arith.constant 4 : i32
        %add3A_471 = arith.addi %add3A_469, %add3A_470 : i32
        %add3A_472 = arith.constant 2 : i32
        %add3A_473 = arith.addi %add3A_471, %add3A_472 : i32
        %mul3A_474 = arith.constant 16 : i32
        %mul3A_475 = arith.muli %scan3A_158, %mul3A_474 : i32
        %add3A_476 = arith.addi %select_n3A_128, %mul3A_475 : i32
        %add3A_477 = arith.constant 4 : i32
        %add3A_478 = arith.addi %add3A_476, %add3A_477 : i32
        %add3A_479 = arith.constant 3 : i32
        %add3A_480 = arith.addi %add3A_478, %add3A_479 : i32
        %get3A_481 = arith.index_cast %add3A_459 : i32 to index
        %get3A_482 = arith.constant 0 : index
        %get3A_483 = tpu.vector_load %arg9[%get3A_481, %get3A_482] {strides = array<i32>} : memref<256x128xf32, #tpu.memory_space<vmem>>, vector<16xf32>,
        %get3A_484 = arith.index_cast %add3A_459 : i32 to index
        %get3A_485 = arith.constant 0 : index
        %get3A_486 = tpu.vector_load %arg10[%get3A_484, %get3A_485] {strides = array<i32>} : memref<256x128xf32, #tpu.memory_space<vmem>>, vector<16xf32>,
        %mul3A_487 = arith.mulf %get3A_483, %get3A_486 : vector<16xf32>
        %get3A_488 = arith.index_cast %add3A_466 : i32 to index
        %get3A_489 = arith.constant 0 : index
        %get3A_490 = tpu.vector_load %arg9[%get3A_488, %get3A_489] {strides = array<i32>} : memref<256x128xf32, #tpu.memory_space<vmem>>, vector<16xf32>,
        %get3A_491 = arith.index_cast %add3A_466 : i32 to index
        %get3A_492 = arith.constant 0 : index
        %get3A_493 = tpu.vector_load %arg10[%get3A_491, %get3A_492] {strides = array<i32>} : memref<256x128xf32, #tpu.memory_space<vmem>>, vector<16xf32>,
        %mul3A_494 = arith.mulf %get3A_490, %get3A_493 : vector<16xf32>
        %get3A_495 = arith.index_cast %add3A_473 : i32 to index
        %get3A_496 = arith.constant 0 : index
        %get3A_497 = tpu.vector_load %arg9[%get3A_495, %get3A_496] {strides = array<i32>} : memref<256x128xf32, #tpu.memory_space<vmem>>, vector<16xf32>,
        %get3A_498 = arith.index_cast %add3A_473 : i32 to index
        %get3A_499 = arith.constant 0 : index
        %get3A_500 = tpu.vector_load %arg10[%get3A_498, %get3A_499] {strides = array<i32>} : memref<256x128xf32, #tpu.memory_space<vmem>>, vector<16xf32>,
        %mul3A_501 = arith.mulf %get3A_497, %get3A_500 : vector<16xf32>
        %get3A_502 = arith.index_cast %add3A_480 : i32 to index
        %get3A_503 = arith.constant 0 : index
        %get3A_504 = tpu.vector_load %arg9[%get3A_502, %get3A_503] {strides = array<i32>} : memref<256x128xf32, #tpu.memory_space<vmem>>, vector<16xf32>,
        %get3A_505 = arith.index_cast %add3A_480 : i32 to index
        %get3A_506 = arith.constant 0 : index
        %get3A_507 = tpu.vector_load %arg10[%get3A_505, %get3A_506] {strides = array<i32>} : memref<256x128xf32, #tpu.memory_space<vmem>>, vector<16xf32>,
        %mul3A_508 = arith.mulf %get3A_504, %get3A_507 : vector<16xf32>
        %get3A_509 = arith.index_cast %add3A_459 : i32 to index
        %get3A_510 = arith.constant 16 : index
        %get3A_511 = tpu.vector_load %arg9[%get3A_509, %get3A_510] {strides = array<i32>} : memref<256x128xf32, #tpu.memory_space<vmem>>, vector<16xf32>,
        %get3A_512 = arith.index_cast %add3A_459 : i32 to index
        %get3A_513 = arith.constant 16 : index
        %get3A_514 = tpu.vector_load %arg10[%get3A_512, %get3A_513] {strides = array<i32>} : memref<256x128xf32, #tpu.memory_space<vmem>>, vector<16xf32>,
        %mul3A_515 = arith.mulf %get3A_511, %get3A_514 : vector<16xf32>
        %add3A_516 = arith.addf %mul3A_487, %mul3A_515 : vector<16xf32>
        %get3A_517 = arith.index_cast %add3A_466 : i32 to index
        %get3A_518 = arith.constant 16 : index
        %get3A_519 = tpu.vector_load %arg9[%get3A_517, %get3A_518] {strides = array<i32>} : memref<256x128xf32, #tpu.memory_space<vmem>>, vector<16xf32>,
        %get3A_520 = arith.index_cast %add3A_466 : i32 to index
        %get3A_521 = arith.constant 16 : index
        %get3A_522 = tpu.vector_load %arg10[%get3A_520, %get3A_521] {strides = array<i32>} : memref<256x128xf32, #tpu.memory_space<vmem>>, vector<16xf32>,
        %mul3A_523 = arith.mulf %get3A_519, %get3A_522 : vector<16xf32>
        %add3A_524 = arith.addf %mul3A_494, %mul3A_523 : vector<16xf32>
        %get3A_525 = arith.index_cast %add3A_473 : i32 to index
        %get3A_526 = arith.constant 16 : index
        %get3A_527 = tpu.vector_load %arg9[%get3A_525, %get3A_526] {strides = array<i32>} : memref<256x128xf32, #tpu.memory_space<vmem>>, vector<16xf32>,
        %get3A_528 = arith.index_cast %add3A_473 : i32 to index
        %get3A_529 = arith.constant 16 : index
        %get3A_530 = tpu.vector_load %arg10[%get3A_528, %get3A_529] {strides = array<i32>} : memref<256x128xf32, #tpu.memory_space<vmem>>, vector<16xf32>,
        %mul3A_531 = arith.mulf %get3A_527, %get3A_530 : vector<16xf32>
        %add3A_532 = arith.addf %mul3A_501, %mul3A_531 : vector<16xf32>
        %get3A_533 = arith.index_cast %add3A_480 : i32 to index
        %get3A_534 = arith.constant 16 : index
        %get3A_535 = tpu.vector_load %arg9[%get3A_533, %get3A_534] {strides = array<i32>} : memref<256x128xf32, #tpu.memory_space<vmem>>, vector<16xf32>,
        %get3A_536 = arith.index_cast %add3A_480 : i32 to index
        %get3A_537 = arith.constant 16 : index
        %get3A_538 = tpu.vector_load %arg10[%get3A_536, %get3A_537] {strides = array<i32>} : memref<256x128xf32, #tpu.memory_space<vmem>>, vector<16xf32>,
        %mul3A_539 = arith.mulf %get3A_535, %get3A_538 : vector<16xf32>
        %add3A_540 = arith.addf %mul3A_508, %mul3A_539 : vector<16xf32>
        %get3A_541 = arith.index_cast %add3A_459 : i32 to index
        %get3A_542 = arith.constant 32 : index
        %get3A_543 = tpu.vector_load %arg9[%get3A_541, %get3A_542] {strides = array<i32>} : memref<256x128xf32, #tpu.memory_space<vmem>>, vector<16xf32>,
        %get3A_544 = arith.index_cast %add3A_459 : i32 to index
        %get3A_545 = arith.constant 32 : index
        %get3A_546 = tpu.vector_load %arg10[%get3A_544, %get3A_545] {strides = array<i32>} : memref<256x128xf32, #tpu.memory_space<vmem>>, vector<16xf32>,
        %mul3A_547 = arith.mulf %get3A_543, %get3A_546 : vector<16xf32>
        %add3A_548 = arith.addf %add3A_516, %mul3A_547 : vector<16xf32>
        %get3A_549 = arith.index_cast %add3A_466 : i32 to index
        %get3A_550 = arith.constant 32 : index
        %get3A_551 = tpu.vector_load %arg9[%get3A_549, %get3A_550] {strides = array<i32>} : memref<256x128xf32, #tpu.memory_space<vmem>>, vector<16xf32>,
        %get3A_552 = arith.index_cast %add3A_466 : i32 to index
        %get3A_553 = arith.constant 32 : index
        %get3A_554 = tpu.vector_load %arg10[%get3A_552, %get3A_553] {strides = array<i32>} : memref<256x128xf32, #tpu.memory_space<vmem>>, vector<16xf32>,
        %mul3A_555 = arith.mulf %get3A_551, %get3A_554 : vector<16xf32>
        %add3A_556 = arith.addf %add3A_524, %mul3A_555 : vector<16xf32>
        %get3A_557 = arith.index_cast %add3A_473 : i32 to index
        %get3A_558 = arith.constant 32 : index
        %get3A_559 = tpu.vector_load %arg9[%get3A_557, %get3A_558] {strides = array<i32>} : memref<256x128xf32, #tpu.memory_space<vmem>>, vector<16xf32>,
        %get3A_560 = arith.index_cast %add3A_473 : i32 to index
        %get3A_561 = arith.constant 32 : index
        %get3A_562 = tpu.vector_load %arg10[%get3A_560, %get3A_561] {strides = array<i32>} : memref<256x128xf32, #tpu.memory_space<vmem>>, vector<16xf32>,
        %mul3A_563 = arith.mulf %get3A_559, %get3A_562 : vector<16xf32>
        %add3A_564 = arith.addf %add3A_532, %mul3A_563 : vector<16xf32>
        %get3A_565 = arith.index_cast %add3A_480 : i32 to index
        %get3A_566 = arith.constant 32 : index
        %get3A_567 = tpu.vector_load %arg9[%get3A_565, %get3A_566] {strides = array<i32>} : memref<256x128xf32, #tpu.memory_space<vmem>>, vector<16xf32>,
        %get3A_568 = arith.index_cast %add3A_480 : i32 to index
        %get3A_569 = arith.constant 32 : index
        %get3A_570 = tpu.vector_load %arg10[%get3A_568, %get3A_569] {strides = array<i32>} : memref<256x128xf32, #tpu.memory_space<vmem>>, vector<16xf32>,
        %mul3A_571 = arith.mulf %get3A_567, %get3A_570 : vector<16xf32>
        %add3A_572 = arith.addf %add3A_540, %mul3A_571 : vector<16xf32>
        %get3A_573 = arith.index_cast %add3A_459 : i32 to index
        %get3A_574 = arith.constant 48 : index
        %get3A_575 = tpu.vector_load %arg9[%get3A_573, %get3A_574] {strides = array<i32>} : memref<256x128xf32, #tpu.memory_space<vmem>>, vector<16xf32>,
        %get3A_576 = arith.index_cast %add3A_459 : i32 to index
        %get3A_577 = arith.constant 48 : index
        %get3A_578 = tpu.vector_load %arg10[%get3A_576, %get3A_577] {strides = array<i32>} : memref<256x128xf32, #tpu.memory_space<vmem>>, vector<16xf32>,
        %mul3A_579 = arith.mulf %get3A_575, %get3A_578 : vector<16xf32>
        %add3A_580 = arith.addf %add3A_548, %mul3A_579 : vector<16xf32>
        %get3A_581 = arith.index_cast %add3A_466 : i32 to index
        %get3A_582 = arith.constant 48 : index
        %get3A_583 = tpu.vector_load %arg9[%get3A_581, %get3A_582] {strides = array<i32>} : memref<256x128xf32, #tpu.memory_space<vmem>>, vector<16xf32>,
        %get3A_584 = arith.index_cast %add3A_466 : i32 to index
        %get3A_585 = arith.constant 48 : index
        %get3A_586 = tpu.vector_load %arg10[%get3A_584, %get3A_585] {strides = array<i32>} : memref<256x128xf32, #tpu.memory_space<vmem>>, vector<16xf32>,
        %mul3A_587 = arith.mulf %get3A_583, %get3A_586 : vector<16xf32>
        %add3A_588 = arith.addf %add3A_556, %mul3A_587 : vector<16xf32>
        %get3A_589 = arith.index_cast %add3A_473 : i32 to index
        %get3A_590 = arith.constant 48 : index
        %get3A_591 = tpu.vector_load %arg9[%get3A_589, %get3A_590] {strides = array<i32>} : memref<256x128xf32, #tpu.memory_space<vmem>>, vector<16xf32>,
        %get3A_592 = arith.index_cast %add3A_473 : i32 to index
        %get3A_593 = arith.constant 48 : index
        %get3A_594 = tpu.vector_load %arg10[%get3A_592, %get3A_593] {strides = array<i32>} : memref<256x128xf32, #tpu.memory_space<vmem>>, vector<16xf32>,
        %mul3A_595 = arith.mulf %get3A_591, %get3A_594 : vector<16xf32>
        %add3A_596 = arith.addf %add3A_564, %mul3A_595 : vector<16xf32>
        %get3A_597 = arith.index_cast %add3A_480 : i32 to index
        %get3A_598 = arith.constant 48 : index
        %get3A_599 = tpu.vector_load %arg9[%get3A_597, %get3A_598] {strides = array<i32>} : memref<256x128xf32, #tpu.memory_space<vmem>>, vector<16xf32>,
        %get3A_600 = arith.index_cast %add3A_480 : i32 to index
        %get3A_601 = arith.constant 48 : index
        %get3A_602 = tpu.vector_load %arg10[%get3A_600, %get3A_601] {strides = array<i32>} : memref<256x128xf32, #tpu.memory_space<vmem>>, vector<16xf32>,
        %mul3A_603 = arith.mulf %get3A_599, %get3A_602 : vector<16xf32>
        %add3A_604 = arith.addf %add3A_572, %mul3A_603 : vector<16xf32>
        %get3A_605 = arith.index_cast %add3A_459 : i32 to index
        %get3A_606 = arith.constant 64 : index
        %get3A_607 = tpu.vector_load %arg9[%get3A_605, %get3A_606] {strides = array<i32>} : memref<256x128xf32, #tpu.memory_space<vmem>>, vector<16xf32>,
        %get3A_608 = arith.index_cast %add3A_459 : i32 to index
        %get3A_609 = arith.constant 64 : index
        %get3A_610 = tpu.vector_load %arg10[%get3A_608, %get3A_609] {strides = array<i32>} : memref<256x128xf32, #tpu.memory_space<vmem>>, vector<16xf32>,
        %mul3A_611 = arith.mulf %get3A_607, %get3A_610 : vector<16xf32>
        %add3A_612 = arith.addf %add3A_580, %mul3A_611 : vector<16xf32>
        %get3A_613 = arith.index_cast %add3A_466 : i32 to index
        %get3A_614 = arith.constant 64 : index
        %get3A_615 = tpu.vector_load %arg9[%get3A_613, %get3A_614] {strides = array<i32>} : memref<256x128xf32, #tpu.memory_space<vmem>>, vector<16xf32>,
        %get3A_616 = arith.index_cast %add3A_466 : i32 to index
        %get3A_617 = arith.constant 64 : index
        %get3A_618 = tpu.vector_load %arg10[%get3A_616, %get3A_617] {strides = array<i32>} : memref<256x128xf32, #tpu.memory_space<vmem>>, vector<16xf32>,
        %mul3A_619 = arith.mulf %get3A_615, %get3A_618 : vector<16xf32>
        %add3A_620 = arith.addf %add3A_588, %mul3A_619 : vector<16xf32>
        %get3A_621 = arith.index_cast %add3A_473 : i32 to index
        %get3A_622 = arith.constant 64 : index
        %get3A_623 = tpu.vector_load %arg9[%get3A_621, %get3A_622] {strides = array<i32>} : memref<256x128xf32, #tpu.memory_space<vmem>>, vector<16xf32>,
        %get3A_624 = arith.index_cast %add3A_473 : i32 to index
        %get3A_625 = arith.constant 64 : index
        %get3A_626 = tpu.vector_load %arg10[%get3A_624, %get3A_625] {strides = array<i32>} : memref<256x128xf32, #tpu.memory_space<vmem>>, vector<16xf32>,
        %mul3A_627 = arith.mulf %get3A_623, %get3A_626 : vector<16xf32>
        %add3A_628 = arith.addf %add3A_596, %mul3A_627 : vector<16xf32>
        %get3A_629 = arith.index_cast %add3A_480 : i32 to index
        %get3A_630 = arith.constant 64 : index
        %get3A_631 = tpu.vector_load %arg9[%get3A_629, %get3A_630] {strides = array<i32>} : memref<256x128xf32, #tpu.memory_space<vmem>>, vector<16xf32>,
        %get3A_632 = arith.index_cast %add3A_480 : i32 to index
        %get3A_633 = arith.constant 64 : index
        %get3A_634 = tpu.vector_load %arg10[%get3A_632, %get3A_633] {strides = array<i32>} : memref<256x128xf32, #tpu.memory_space<vmem>>, vector<16xf32>,
        %mul3A_635 = arith.mulf %get3A_631, %get3A_634 : vector<16xf32>
        %add3A_636 = arith.addf %add3A_604, %mul3A_635 : vector<16xf32>
        %get3A_637 = arith.index_cast %add3A_459 : i32 to index
        %get3A_638 = arith.constant 80 : index
        %get3A_639 = tpu.vector_load %arg9[%get3A_637, %get3A_638] {strides = array<i32>} : memref<256x128xf32, #tpu.memory_space<vmem>>, vector<16xf32>,
        %get3A_640 = arith.index_cast %add3A_459 : i32 to index
        %get3A_641 = arith.constant 80 : index
        %get3A_642 = tpu.vector_load %arg10[%get3A_640, %get3A_641] {strides = array<i32>} : memref<256x128xf32, #tpu.memory_space<vmem>>, vector<16xf32>,
        %mul3A_643 = arith.mulf %get3A_639, %get3A_642 : vector<16xf32>
        %add3A_644 = arith.addf %add3A_612, %mul3A_643 : vector<16xf32>
        %get3A_645 = arith.index_cast %add3A_466 : i32 to index
        %get3A_646 = arith.constant 80 : index
        %get3A_647 = tpu.vector_load %arg9[%get3A_645, %get3A_646] {strides = array<i32>} : memref<256x128xf32, #tpu.memory_space<vmem>>, vector<16xf32>,
        %get3A_648 = arith.index_cast %add3A_466 : i32 to index
        %get3A_649 = arith.constant 80 : index
        %get3A_650 = tpu.vector_load %arg10[%get3A_648, %get3A_649] {strides = array<i32>} : memref<256x128xf32, #tpu.memory_space<vmem>>, vector<16xf32>,
        %mul3A_651 = arith.mulf %get3A_647, %get3A_650 : vector<16xf32>
        %add3A_652 = arith.addf %add3A_620, %mul3A_651 : vector<16xf32>
        %get3A_653 = arith.index_cast %add3A_473 : i32 to index
        %get3A_654 = arith.constant 80 : index
        %get3A_655 = tpu.vector_load %arg9[%get3A_653, %get3A_654] {strides = array<i32>} : memref<256x128xf32, #tpu.memory_space<vmem>>, vector<16xf32>,
        %get3A_656 = arith.index_cast %add3A_473 : i32 to index
        %get3A_657 = arith.constant 80 : index
        %get3A_658 = tpu.vector_load %arg10[%get3A_656, %get3A_657] {strides = array<i32>} : memref<256x128xf32, #tpu.memory_space<vmem>>, vector<16xf32>,
        %mul3A_659 = arith.mulf %get3A_655, %get3A_658 : vector<16xf32>
        %add3A_660 = arith.addf %add3A_628, %mul3A_659 : vector<16xf32>
        %get3A_661 = arith.index_cast %add3A_480 : i32 to index
        %get3A_662 = arith.constant 80 : index
        %get3A_663 = tpu.vector_load %arg9[%get3A_661, %get3A_662] {strides = array<i32>} : memref<256x128xf32, #tpu.memory_space<vmem>>, vector<16xf32>,
        %get3A_664 = arith.index_cast %add3A_480 : i32 to index
        %get3A_665 = arith.constant 80 : index
        %get3A_666 = tpu.vector_load %arg10[%get3A_664, %get3A_665] {strides = array<i32>} : memref<256x128xf32, #tpu.memory_space<vmem>>, vector<16xf32>,
        %mul3A_667 = arith.mulf %get3A_663, %get3A_666 : vector<16xf32>
        %add3A_668 = arith.addf %add3A_636, %mul3A_667 : vector<16xf32>
        %get3A_669 = arith.index_cast %add3A_459 : i32 to index
        %get3A_670 = arith.constant 96 : index
        %get3A_671 = tpu.vector_load %arg9[%get3A_669, %get3A_670] {strides = array<i32>} : memref<256x128xf32, #tpu.memory_space<vmem>>, vector<16xf32>,
        %get3A_672 = arith.index_cast %add3A_459 : i32 to index
        %get3A_673 = arith.constant 96 : index
        %get3A_674 = tpu.vector_load %arg10[%get3A_672, %get3A_673] {strides = array<i32>} : memref<256x128xf32, #tpu.memory_space<vmem>>, vector<16xf32>,
        %mul3A_675 = arith.mulf %get3A_671, %get3A_674 : vector<16xf32>
        %add3A_676 = arith.addf %add3A_644, %mul3A_675 : vector<16xf32>
        %get3A_677 = arith.index_cast %add3A_466 : i32 to index
        %get3A_678 = arith.constant 96 : index
        %get3A_679 = tpu.vector_load %arg9[%get3A_677, %get3A_678] {strides = array<i32>} : memref<256x128xf32, #tpu.memory_space<vmem>>, vector<16xf32>,
        %get3A_680 = arith.index_cast %add3A_466 : i32 to index
        %get3A_681 = arith.constant 96 : index
        %get3A_682 = tpu.vector_load %arg10[%get3A_680, %get3A_681] {strides = array<i32>} : memref<256x128xf32, #tpu.memory_space<vmem>>, vector<16xf32>,
        %mul3A_683 = arith.mulf %get3A_679, %get3A_682 : vector<16xf32>
        %add3A_684 = arith.addf %add3A_652, %mul3A_683 : vector<16xf32>
        %get3A_685 = arith.index_cast %add3A_473 : i32 to index
        %get3A_686 = arith.constant 96 : index
        %get3A_687 = tpu.vector_load %arg9[%get3A_685, %get3A_686] {strides = array<i32>} : memref<256x128xf32, #tpu.memory_space<vmem>>, vector<16xf32>,
        %get3A_688 = arith.index_cast %add3A_473 : i32 to index
        %get3A_689 = arith.constant 96 : index
        %get3A_690 = tpu.vector_load %arg10[%get3A_688, %get3A_689] {strides = array<i32>} : memref<256x128xf32, #tpu.memory_space<vmem>>, vector<16xf32>,
        %mul3A_691 = arith.mulf %get3A_687, %get3A_690 : vector<16xf32>
        %add3A_692 = arith.addf %add3A_660, %mul3A_691 : vector<16xf32>
        %get3A_693 = arith.index_cast %add3A_480 : i32 to index
        %get3A_694 = arith.constant 96 : index
        %get3A_695 = tpu.vector_load %arg9[%get3A_693, %get3A_694] {strides = array<i32>} : memref<256x128xf32, #tpu.memory_space<vmem>>, vector<16xf32>,
        %get3A_696 = arith.index_cast %add3A_480 : i32 to index
        %get3A_697 = arith.constant 96 : index
        %get3A_698 = tpu.vector_load %arg10[%get3A_696, %get3A_697] {strides = array<i32>} : memref<256x128xf32, #tpu.memory_space<vmem>>, vector<16xf32>,
        %mul3A_699 = arith.mulf %get3A_695, %get3A_698 : vector<16xf32>
        %add3A_700 = arith.addf %add3A_668, %mul3A_699 : vector<16xf32>
        %get3A_701 = arith.index_cast %add3A_459 : i32 to index
        %get3A_702 = arith.constant 112 : index
        %get3A_703 = tpu.vector_load %arg9[%get3A_701, %get3A_702] {strides = array<i32>} : memref<256x128xf32, #tpu.memory_space<vmem>>, vector<16xf32>,
        %get3A_704 = arith.index_cast %add3A_459 : i32 to index
        %get3A_705 = arith.constant 112 : index
        %get3A_706 = tpu.vector_load %arg10[%get3A_704, %get3A_705] {strides = array<i32>} : memref<256x128xf32, #tpu.memory_space<vmem>>, vector<16xf32>,
        %mul3A_707 = arith.mulf %get3A_703, %get3A_706 : vector<16xf32>
        %add3A_708 = arith.addf %add3A_676, %mul3A_707 : vector<16xf32>
        %get3A_709 = arith.index_cast %add3A_466 : i32 to index
        %get3A_710 = arith.constant 112 : index
        %get3A_711 = tpu.vector_load %arg9[%get3A_709, %get3A_710] {strides = array<i32>} : memref<256x128xf32, #tpu.memory_space<vmem>>, vector<16xf32>,
        %get3A_712 = arith.index_cast %add3A_466 : i32 to index
        %get3A_713 = arith.constant 112 : index
        %get3A_714 = tpu.vector_load %arg10[%get3A_712, %get3A_713] {strides = array<i32>} : memref<256x128xf32, #tpu.memory_space<vmem>>, vector<16xf32>,
        %mul3A_715 = arith.mulf %get3A_711, %get3A_714 : vector<16xf32>
        %add3A_716 = arith.addf %add3A_684, %mul3A_715 : vector<16xf32>
        %get3A_717 = arith.index_cast %add3A_473 : i32 to index
        %get3A_718 = arith.constant 112 : index
        %get3A_719 = tpu.vector_load %arg9[%get3A_717, %get3A_718] {strides = array<i32>} : memref<256x128xf32, #tpu.memory_space<vmem>>, vector<16xf32>,
        %get3A_720 = arith.index_cast %add3A_473 : i32 to index
        %get3A_721 = arith.constant 112 : index
        %get3A_722 = tpu.vector_load %arg10[%get3A_720, %get3A_721] {strides = array<i32>} : memref<256x128xf32, #tpu.memory_space<vmem>>, vector<16xf32>,
        %mul3A_723 = arith.mulf %get3A_719, %get3A_722 : vector<16xf32>
        %add3A_724 = arith.addf %add3A_692, %mul3A_723 : vector<16xf32>
        %get3A_725 = arith.index_cast %add3A_480 : i32 to index
        %get3A_726 = arith.constant 112 : index
        %get3A_727 = tpu.vector_load %arg9[%get3A_725, %get3A_726] {strides = array<i32>} : memref<256x128xf32, #tpu.memory_space<vmem>>, vector<16xf32>,
        %get3A_728 = arith.index_cast %add3A_480 : i32 to index
        %get3A_729 = arith.constant 112 : index
        %get3A_730 = tpu.vector_load %arg10[%get3A_728, %get3A_729] {strides = array<i32>} : memref<256x128xf32, #tpu.memory_space<vmem>>, vector<16xf32>,
        %mul3A_731 = arith.mulf %get3A_727, %get3A_730 : vector<16xf32>
        %add3A_732 = arith.addf %add3A_700, %mul3A_731 : vector<16xf32>
        %swap3A_733 = arith.constant 4 : i32
        %swap3A_734 = arith.index_cast %swap3A_733 : i32 to index
        %swap3A_735 = arith.constant 0 : index
        %swap3A_736 = tpu.vector_load %arg13[%swap3A_734, %swap3A_735] {strides = array<i32>} : memref<16x17xf32, #tpu.memory_space<vmem>>, vector<16xf32>,
        tpu.vector_store %arg13[%swap3A_734, %swap3A_735], %add3A_708 {strides = array<i32>} : memref<16x17xf32, #tpu.memory_space<vmem>>, vector<16xf32>,
        %swap3A_737 = arith.constant 5 : i32
        %swap3A_738 = arith.index_cast %swap3A_737 : i32 to index
        %swap3A_739 = arith.constant 0 : index
        %swap3A_740 = tpu.vector_load %arg13[%swap3A_738, %swap3A_739] {strides = array<i32>} : memref<16x17xf32, #tpu.memory_space<vmem>>, vector<16xf32>,
        tpu.vector_store %arg13[%swap3A_738, %swap3A_739], %add3A_716 {strides = array<i32>} : memref<16x17xf32, #tpu.memory_space<vmem>>, vector<16xf32>,
        %swap3A_741 = arith.constant 6 : i32
        %swap3A_742 = arith.index_cast %swap3A_741 : i32 to index
        %swap3A_743 = arith.constant 0 : index
        %swap3A_744 = tpu.vector_load %arg13[%swap3A_742, %swap3A_743] {strides = array<i32>} : memref<16x17xf32, #tpu.memory_space<vmem>>, vector<16xf32>,
        tpu.vector_store %arg13[%swap3A_742, %swap3A_743], %add3A_724 {strides = array<i32>} : memref<16x17xf32, #tpu.memory_space<vmem>>, vector<16xf32>,
        %swap3A_745 = arith.constant 7 : i32
        %swap3A_746 = arith.index_cast %swap3A_745 : i32 to index
        %swap3A_747 = arith.constant 0 : index
        %swap3A_748 = tpu.vector_load %arg13[%swap3A_746, %swap3A_747] {strides = array<i32>} : memref<16x17xf32, #tpu.memory_space<vmem>>, vector<16xf32>,
        tpu.vector_store %arg13[%swap3A_746, %swap3A_747], %add3A_732 {strides = array<i32>} : memref<16x17xf32, #tpu.memory_space<vmem>>, vector<16xf32>,
        %mul3A_749 = arith.constant 16 : i32
        %mul3A_750 = arith.muli %scan3A_158, %mul3A_749 : i32
        %add3A_751 = arith.addi %select_n3A_128, %mul3A_750 : i32
        %add3A_752 = arith.constant 8 : i32
        %add3A_753 = arith.addi %add3A_751, %add3A_752 : i32
        %add3A_754 = arith.constant 0 : i32
        %add3A_755 = arith.addi %add3A_753, %add3A_754 : i32
        %mul3A_756 = arith.constant 16 : i32
        %mul3A_757 = arith.muli %scan3A_158, %mul3A_756 : i32
        %add3A_758 = arith.addi %select_n3A_128, %mul3A_757 : i32
        %add3A_759 = arith.constant 8 : i32
        %add3A_760 = arith.addi %add3A_758, %add3A_759 : i32
        %add3A_761 = arith.constant 1 : i32
        %add3A_762 = arith.addi %add3A_760, %add3A_761 : i32
        %mul3A_763 = arith.constant 16 : i32
        %mul3A_764 = arith.muli %scan3A_158, %mul3A_763 : i32
        %add3A_765 = arith.addi %select_n3A_128, %mul3A_764 : i32
        %add3A_766 = arith.constant 8 : i32
        %add3A_767 = arith.addi %add3A_765, %add3A_766 : i32
        %add3A_768 = arith.constant 2 : i32
        %add3A_769 = arith.addi %add3A_767, %add3A_768 : i32
        %mul3A_770 = arith.constant 16 : i32
        %mul3A_771 = arith.muli %scan3A_158, %mul3A_770 : i32
        %add3A_772 = arith.addi %select_n3A_128, %mul3A_771 : i32
        %add3A_773 = arith.constant 8 : i32
        %add3A_774 = arith.addi %add3A_772, %add3A_773 : i32
        %add3A_775 = arith.constant 3 : i32
        %add3A_776 = arith.addi %add3A_774, %add3A_775 : i32
        %get3A_777 = arith.index_cast %add3A_755 : i32 to index
        %get3A_778 = arith.constant 0 : index
        %get3A_779 = tpu.vector_load %arg9[%get3A_777, %get3A_778] {strides = array<i32>} : memref<256x128xf32, #tpu.memory_space<vmem>>, vector<16xf32>,
        %get3A_780 = arith.index_cast %add3A_755 : i32 to index
        %get3A_781 = arith.constant 0 : index
        %get3A_782 = tpu.vector_load %arg10[%get3A_780, %get3A_781] {strides = array<i32>} : memref<256x128xf32, #tpu.memory_space<vmem>>, vector<16xf32>,
        %mul3A_783 = arith.mulf %get3A_779, %get3A_782 : vector<16xf32>
        %get3A_784 = arith.index_cast %add3A_762 : i32 to index
        %get3A_785 = arith.constant 0 : index
        %get3A_786 = tpu.vector_load %arg9[%get3A_784, %get3A_785] {strides = array<i32>} : memref<256x128xf32, #tpu.memory_space<vmem>>, vector<16xf32>,
        %get3A_787 = arith.index_cast %add3A_762 : i32 to index
        %get3A_788 = arith.constant 0 : index
        %get3A_789 = tpu.vector_load %arg10[%get3A_787, %get3A_788] {strides = array<i32>} : memref<256x128xf32, #tpu.memory_space<vmem>>, vector<16xf32>,
        %mul3A_790 = arith.mulf %get3A_786, %get3A_789 : vector<16xf32>
        %get3A_791 = arith.index_cast %add3A_769 : i32 to index
        %get3A_792 = arith.constant 0 : index
        %get3A_793 = tpu.vector_load %arg9[%get3A_791, %get3A_792] {strides = array<i32>} : memref<256x128xf32, #tpu.memory_space<vmem>>, vector<16xf32>,
        %get3A_794 = arith.index_cast %add3A_769 : i32 to index
        %get3A_795 = arith.constant 0 : index
        %get3A_796 = tpu.vector_load %arg10[%get3A_794, %get3A_795] {strides = array<i32>} : memref<256x128xf32, #tpu.memory_space<vmem>>, vector<16xf32>,
        %mul3A_797 = arith.mulf %get3A_793, %get3A_796 : vector<16xf32>
        %get3A_798 = arith.index_cast %add3A_776 : i32 to index
        %get3A_799 = arith.constant 0 : index
        %get3A_800 = tpu.vector_load %arg9[%get3A_798, %get3A_799] {strides = array<i32>} : memref<256x128xf32, #tpu.memory_space<vmem>>, vector<16xf32>,
        %get3A_801 = arith.index_cast %add3A_776 : i32 to index
        %get3A_802 = arith.constant 0 : index
        %get3A_803 = tpu.vector_load %arg10[%get3A_801, %get3A_802] {strides = array<i32>} : memref<256x128xf32, #tpu.memory_space<vmem>>, vector<16xf32>,
        %mul3A_804 = arith.mulf %get3A_800, %get3A_803 : vector<16xf32>
        %get3A_805 = arith.index_cast %add3A_755 : i32 to index
        %get3A_806 = arith.constant 16 : index
        %get3A_807 = tpu.vector_load %arg9[%get3A_805, %get3A_806] {strides = array<i32>} : memref<256x128xf32, #tpu.memory_space<vmem>>, vector<16xf32>,
        %get3A_808 = arith.index_cast %add3A_755 : i32 to index
        %get3A_809 = arith.constant 16 : index
        %get3A_810 = tpu.vector_load %arg10[%get3A_808, %get3A_809] {strides = array<i32>} : memref<256x128xf32, #tpu.memory_space<vmem>>, vector<16xf32>,
        %mul3A_811 = arith.mulf %get3A_807, %get3A_810 : vector<16xf32>
        %add3A_812 = arith.addf %mul3A_783, %mul3A_811 : vector<16xf32>
        %get3A_813 = arith.index_cast %add3A_762 : i32 to index
        %get3A_814 = arith.constant 16 : index
        %get3A_815 = tpu.vector_load %arg9[%get3A_813, %get3A_814] {strides = array<i32>} : memref<256x128xf32, #tpu.memory_space<vmem>>, vector<16xf32>,
        %get3A_816 = arith.index_cast %add3A_762 : i32 to index
        %get3A_817 = arith.constant 16 : index
        %get3A_818 = tpu.vector_load %arg10[%get3A_816, %get3A_817] {strides = array<i32>} : memref<256x128xf32, #tpu.memory_space<vmem>>, vector<16xf32>,
        %mul3A_819 = arith.mulf %get3A_815, %get3A_818 : vector<16xf32>
        %add3A_820 = arith.addf %mul3A_790, %mul3A_819 : vector<16xf32>
        %get3A_821 = arith.index_cast %add3A_769 : i32 to index
        %get3A_822 = arith.constant 16 : index
        %get3A_823 = tpu.vector_load %arg9[%get3A_821, %get3A_822] {strides = array<i32>} : memref<256x128xf32, #tpu.memory_space<vmem>>, vector<16xf32>,
        %get3A_824 = arith.index_cast %add3A_769 : i32 to index
        %get3A_825 = arith.constant 16 : index
        %get3A_826 = tpu.vector_load %arg10[%get3A_824, %get3A_825] {strides = array<i32>} : memref<256x128xf32, #tpu.memory_space<vmem>>, vector<16xf32>,
        %mul3A_827 = arith.mulf %get3A_823, %get3A_826 : vector<16xf32>
        %add3A_828 = arith.addf %mul3A_797, %mul3A_827 : vector<16xf32>
        %get3A_829 = arith.index_cast %add3A_776 : i32 to index
        %get3A_830 = arith.constant 16 : index
        %get3A_831 = tpu.vector_load %arg9[%get3A_829, %get3A_830] {strides = array<i32>} : memref<256x128xf32, #tpu.memory_space<vmem>>, vector<16xf32>,
        %get3A_832 = arith.index_cast %add3A_776 : i32 to index
        %get3A_833 = arith.constant 16 : index
        %get3A_834 = tpu.vector_load %arg10[%get3A_832, %get3A_833] {strides = array<i32>} : memref<256x128xf32, #tpu.memory_space<vmem>>, vector<16xf32>,
        %mul3A_835 = arith.mulf %get3A_831, %get3A_834 : vector<16xf32>
        %add3A_836 = arith.addf %mul3A_804, %mul3A_835 : vector<16xf32>
        %get3A_837 = arith.index_cast %add3A_755 : i32 to index
        %get3A_838 = arith.constant 32 : index
        %get3A_839 = tpu.vector_load %arg9[%get3A_837, %get3A_838] {strides = array<i32>} : memref<256x128xf32, #tpu.memory_space<vmem>>, vector<16xf32>,
        %get3A_840 = arith.index_cast %add3A_755 : i32 to index
        %get3A_841 = arith.constant 32 : index
        %get3A_842 = tpu.vector_load %arg10[%get3A_840, %get3A_841] {strides = array<i32>} : memref<256x128xf32, #tpu.memory_space<vmem>>, vector<16xf32>,
        %mul3A_843 = arith.mulf %get3A_839, %get3A_842 : vector<16xf32>
        %add3A_844 = arith.addf %add3A_812, %mul3A_843 : vector<16xf32>
        %get3A_845 = arith.index_cast %add3A_762 : i32 to index
        %get3A_846 = arith.constant 32 : index
        %get3A_847 = tpu.vector_load %arg9[%get3A_845, %get3A_846] {strides = array<i32>} : memref<256x128xf32, #tpu.memory_space<vmem>>, vector<16xf32>,
        %get3A_848 = arith.index_cast %add3A_762 : i32 to index
        %get3A_849 = arith.constant 32 : index
        %get3A_850 = tpu.vector_load %arg10[%get3A_848, %get3A_849] {strides = array<i32>} : memref<256x128xf32, #tpu.memory_space<vmem>>, vector<16xf32>,
        %mul3A_851 = arith.mulf %get3A_847, %get3A_850 : vector<16xf32>
        %add3A_852 = arith.addf %add3A_820, %mul3A_851 : vector<16xf32>
        %get3A_853 = arith.index_cast %add3A_769 : i32 to index
        %get3A_854 = arith.constant 32 : index
        %get3A_855 = tpu.vector_load %arg9[%get3A_853, %get3A_854] {strides = array<i32>} : memref<256x128xf32, #tpu.memory_space<vmem>>, vector<16xf32>,
        %get3A_856 = arith.index_cast %add3A_769 : i32 to index
        %get3A_857 = arith.constant 32 : index
        %get3A_858 = tpu.vector_load %arg10[%get3A_856, %get3A_857] {strides = array<i32>} : memref<256x128xf32, #tpu.memory_space<vmem>>, vector<16xf32>,
        %mul3A_859 = arith.mulf %get3A_855, %get3A_858 : vector<16xf32>
        %add3A_860 = arith.addf %add3A_828, %mul3A_859 : vector<16xf32>
        %get3A_861 = arith.index_cast %add3A_776 : i32 to index
        %get3A_862 = arith.constant 32 : index
        %get3A_863 = tpu.vector_load %arg9[%get3A_861, %get3A_862] {strides = array<i32>} : memref<256x128xf32, #tpu.memory_space<vmem>>, vector<16xf32>,
        %get3A_864 = arith.index_cast %add3A_776 : i32 to index
        %get3A_865 = arith.constant 32 : index
        %get3A_866 = tpu.vector_load %arg10[%get3A_864, %get3A_865] {strides = array<i32>} : memref<256x128xf32, #tpu.memory_space<vmem>>, vector<16xf32>,
        %mul3A_867 = arith.mulf %get3A_863, %get3A_866 : vector<16xf32>
        %add3A_868 = arith.addf %add3A_836, %mul3A_867 : vector<16xf32>
        %get3A_869 = arith.index_cast %add3A_755 : i32 to index
        %get3A_870 = arith.constant 48 : index
        %get3A_871 = tpu.vector_load %arg9[%get3A_869, %get3A_870] {strides = array<i32>} : memref<256x128xf32, #tpu.memory_space<vmem>>, vector<16xf32>,
        %get3A_872 = arith.index_cast %add3A_755 : i32 to index
        %get3A_873 = arith.constant 48 : index
        %get3A_874 = tpu.vector_load %arg10[%get3A_872, %get3A_873] {strides = array<i32>} : memref<256x128xf32, #tpu.memory_space<vmem>>, vector<16xf32>,
        %mul3A_875 = arith.mulf %get3A_871, %get3A_874 : vector<16xf32>
        %add3A_876 = arith.addf %add3A_844, %mul3A_875 : vector<16xf32>
        %get3A_877 = arith.index_cast %add3A_762 : i32 to index
        %get3A_878 = arith.constant 48 : index
        %get3A_879 = tpu.vector_load %arg9[%get3A_877, %get3A_878] {strides = array<i32>} : memref<256x128xf32, #tpu.memory_space<vmem>>, vector<16xf32>,
        %get3A_880 = arith.index_cast %add3A_762 : i32 to index
        %get3A_881 = arith.constant 48 : index
        %get3A_882 = tpu.vector_load %arg10[%get3A_880, %get3A_881] {strides = array<i32>} : memref<256x128xf32, #tpu.memory_space<vmem>>, vector<16xf32>,
        %mul3A_883 = arith.mulf %get3A_879, %get3A_882 : vector<16xf32>
        %add3A_884 = arith.addf %add3A_852, %mul3A_883 : vector<16xf32>
        %get3A_885 = arith.index_cast %add3A_769 : i32 to index
        %get3A_886 = arith.constant 48 : index
        %get3A_887 = tpu.vector_load %arg9[%get3A_885, %get3A_886] {strides = array<i32>} : memref<256x128xf32, #tpu.memory_space<vmem>>, vector<16xf32>,
        %get3A_888 = arith.index_cast %add3A_769 : i32 to index
        %get3A_889 = arith.constant 48 : index
        %get3A_890 = tpu.vector_load %arg10[%get3A_888, %get3A_889] {strides = array<i32>} : memref<256x128xf32, #tpu.memory_space<vmem>>, vector<16xf32>,
        %mul3A_891 = arith.mulf %get3A_887, %get3A_890 : vector<16xf32>
        %add3A_892 = arith.addf %add3A_860, %mul3A_891 : vector<16xf32>
        %get3A_893 = arith.index_cast %add3A_776 : i32 to index
        %get3A_894 = arith.constant 48 : index
        %get3A_895 = tpu.vector_load %arg9[%get3A_893, %get3A_894] {strides = array<i32>} : memref<256x128xf32, #tpu.memory_space<vmem>>, vector<16xf32>,
        %get3A_896 = arith.index_cast %add3A_776 : i32 to index
        %get3A_897 = arith.constant 48 : index
        %get3A_898 = tpu.vector_load %arg10[%get3A_896, %get3A_897] {strides = array<i32>} : memref<256x128xf32, #tpu.memory_space<vmem>>, vector<16xf32>,
        %mul3A_899 = arith.mulf %get3A_895, %get3A_898 : vector<16xf32>
        %add3A_900 = arith.addf %add3A_868, %mul3A_899 : vector<16xf32>
        %get3A_901 = arith.index_cast %add3A_755 : i32 to index
        %get3A_902 = arith.constant 64 : index
        %get3A_903 = tpu.vector_load %arg9[%get3A_901, %get3A_902] {strides = array<i32>} : memref<256x128xf32, #tpu.memory_space<vmem>>, vector<16xf32>,
        %get3A_904 = arith.index_cast %add3A_755 : i32 to index
        %get3A_905 = arith.constant 64 : index
        %get3A_906 = tpu.vector_load %arg10[%get3A_904, %get3A_905] {strides = array<i32>} : memref<256x128xf32, #tpu.memory_space<vmem>>, vector<16xf32>,
        %mul3A_907 = arith.mulf %get3A_903, %get3A_906 : vector<16xf32>
        %add3A_908 = arith.addf %add3A_876, %mul3A_907 : vector<16xf32>
        %get3A_909 = arith.index_cast %add3A_762 : i32 to index
        %get3A_910 = arith.constant 64 : index
        %get3A_911 = tpu.vector_load %arg9[%get3A_909, %get3A_910] {strides = array<i32>} : memref<256x128xf32, #tpu.memory_space<vmem>>, vector<16xf32>,
        %get3A_912 = arith.index_cast %add3A_762 : i32 to index
        %get3A_913 = arith.constant 64 : index
        %get3A_914 = tpu.vector_load %arg10[%get3A_912, %get3A_913] {strides = array<i32>} : memref<256x128xf32, #tpu.memory_space<vmem>>, vector<16xf32>,
        %mul3A_915 = arith.mulf %get3A_911, %get3A_914 : vector<16xf32>
        %add3A_916 = arith.addf %add3A_884, %mul3A_915 : vector<16xf32>
        %get3A_917 = arith.index_cast %add3A_769 : i32 to index
        %get3A_918 = arith.constant 64 : index
        %get3A_919 = tpu.vector_load %arg9[%get3A_917, %get3A_918] {strides = array<i32>} : memref<256x128xf32, #tpu.memory_space<vmem>>, vector<16xf32>,
        %get3A_920 = arith.index_cast %add3A_769 : i32 to index
        %get3A_921 = arith.constant 64 : index
        %get3A_922 = tpu.vector_load %arg10[%get3A_920, %get3A_921] {strides = array<i32>} : memref<256x128xf32, #tpu.memory_space<vmem>>, vector<16xf32>,
        %mul3A_923 = arith.mulf %get3A_919, %get3A_922 : vector<16xf32>
        %add3A_924 = arith.addf %add3A_892, %mul3A_923 : vector<16xf32>
        %get3A_925 = arith.index_cast %add3A_776 : i32 to index
        %get3A_926 = arith.constant 64 : index
        %get3A_927 = tpu.vector_load %arg9[%get3A_925, %get3A_926] {strides = array<i32>} : memref<256x128xf32, #tpu.memory_space<vmem>>, vector<16xf32>,
        %get3A_928 = arith.index_cast %add3A_776 : i32 to index
        %get3A_929 = arith.constant 64 : index
        %get3A_930 = tpu.vector_load %arg10[%get3A_928, %get3A_929] {strides = array<i32>} : memref<256x128xf32, #tpu.memory_space<vmem>>, vector<16xf32>,
        %mul3A_931 = arith.mulf %get3A_927, %get3A_930 : vector<16xf32>
        %add3A_932 = arith.addf %add3A_900, %mul3A_931 : vector<16xf32>
        %get3A_933 = arith.index_cast %add3A_755 : i32 to index
        %get3A_934 = arith.constant 80 : index
        %get3A_935 = tpu.vector_load %arg9[%get3A_933, %get3A_934] {strides = array<i32>} : memref<256x128xf32, #tpu.memory_space<vmem>>, vector<16xf32>,
        %get3A_936 = arith.index_cast %add3A_755 : i32 to index
        %get3A_937 = arith.constant 80 : index
        %get3A_938 = tpu.vector_load %arg10[%get3A_936, %get3A_937] {strides = array<i32>} : memref<256x128xf32, #tpu.memory_space<vmem>>, vector<16xf32>,
        %mul3A_939 = arith.mulf %get3A_935, %get3A_938 : vector<16xf32>
        %add3A_940 = arith.addf %add3A_908, %mul3A_939 : vector<16xf32>
        %get3A_941 = arith.index_cast %add3A_762 : i32 to index
        %get3A_942 = arith.constant 80 : index
        %get3A_943 = tpu.vector_load %arg9[%get3A_941, %get3A_942] {strides = array<i32>} : memref<256x128xf32, #tpu.memory_space<vmem>>, vector<16xf32>,
        %get3A_944 = arith.index_cast %add3A_762 : i32 to index
        %get3A_945 = arith.constant 80 : index
        %get3A_946 = tpu.vector_load %arg10[%get3A_944, %get3A_945] {strides = array<i32>} : memref<256x128xf32, #tpu.memory_space<vmem>>, vector<16xf32>,
        %mul3A_947 = arith.mulf %get3A_943, %get3A_946 : vector<16xf32>
        %add3A_948 = arith.addf %add3A_916, %mul3A_947 : vector<16xf32>
        %get3A_949 = arith.index_cast %add3A_769 : i32 to index
        %get3A_950 = arith.constant 80 : index
        %get3A_951 = tpu.vector_load %arg9[%get3A_949, %get3A_950] {strides = array<i32>} : memref<256x128xf32, #tpu.memory_space<vmem>>, vector<16xf32>,
        %get3A_952 = arith.index_cast %add3A_769 : i32 to index
        %get3A_953 = arith.constant 80 : index
        %get3A_954 = tpu.vector_load %arg10[%get3A_952, %get3A_953] {strides = array<i32>} : memref<256x128xf32, #tpu.memory_space<vmem>>, vector<16xf32>,
        %mul3A_955 = arith.mulf %get3A_951, %get3A_954 : vector<16xf32>
        %add3A_956 = arith.addf %add3A_924, %mul3A_955 : vector<16xf32>
        %get3A_957 = arith.index_cast %add3A_776 : i32 to index
        %get3A_958 = arith.constant 80 : index
        %get3A_959 = tpu.vector_load %arg9[%get3A_957, %get3A_958] {strides = array<i32>} : memref<256x128xf32, #tpu.memory_space<vmem>>, vector<16xf32>,
        %get3A_960 = arith.index_cast %add3A_776 : i32 to index
        %get3A_961 = arith.constant 80 : index
        %get3A_962 = tpu.vector_load %arg10[%get3A_960, %get3A_961] {strides = array<i32>} : memref<256x128xf32, #tpu.memory_space<vmem>>, vector<16xf32>,
        %mul3A_963 = arith.mulf %get3A_959, %get3A_962 : vector<16xf32>
        %add3A_964 = arith.addf %add3A_932, %mul3A_963 : vector<16xf32>
        %get3A_965 = arith.index_cast %add3A_755 : i32 to index
        %get3A_966 = arith.constant 96 : index
        %get3A_967 = tpu.vector_load %arg9[%get3A_965, %get3A_966] {strides = array<i32>} : memref<256x128xf32, #tpu.memory_space<vmem>>, vector<16xf32>,
        %get3A_968 = arith.index_cast %add3A_755 : i32 to index
        %get3A_969 = arith.constant 96 : index
        %get3A_970 = tpu.vector_load %arg10[%get3A_968, %get3A_969] {strides = array<i32>} : memref<256x128xf32, #tpu.memory_space<vmem>>, vector<16xf32>,
        %mul3A_971 = arith.mulf %get3A_967, %get3A_970 : vector<16xf32>
        %add3A_972 = arith.addf %add3A_940, %mul3A_971 : vector<16xf32>
        %get3A_973 = arith.index_cast %add3A_762 : i32 to index
        %get3A_974 = arith.constant 96 : index
        %get3A_975 = tpu.vector_load %arg9[%get3A_973, %get3A_974] {strides = array<i32>} : memref<256x128xf32, #tpu.memory_space<vmem>>, vector<16xf32>,
        %get3A_976 = arith.index_cast %add3A_762 : i32 to index
        %get3A_977 = arith.constant 96 : index
        %get3A_978 = tpu.vector_load %arg10[%get3A_976, %get3A_977] {strides = array<i32>} : memref<256x128xf32, #tpu.memory_space<vmem>>, vector<16xf32>,
        %mul3A_979 = arith.mulf %get3A_975, %get3A_978 : vector<16xf32>
        %add3A_980 = arith.addf %add3A_948, %mul3A_979 : vector<16xf32>
        %get3A_981 = arith.index_cast %add3A_769 : i32 to index
        %get3A_982 = arith.constant 96 : index
        %get3A_983 = tpu.vector_load %arg9[%get3A_981, %get3A_982] {strides = array<i32>} : memref<256x128xf32, #tpu.memory_space<vmem>>, vector<16xf32>,
        %get3A_984 = arith.index_cast %add3A_769 : i32 to index
        %get3A_985 = arith.constant 96 : index
        %get3A_986 = tpu.vector_load %arg10[%get3A_984, %get3A_985] {strides = array<i32>} : memref<256x128xf32, #tpu.memory_space<vmem>>, vector<16xf32>,
        %mul3A_987 = arith.mulf %get3A_983, %get3A_986 : vector<16xf32>
        %add3A_988 = arith.addf %add3A_956, %mul3A_987 : vector<16xf32>
        %get3A_989 = arith.index_cast %add3A_776 : i32 to index
        %get3A_990 = arith.constant 96 : index
        %get3A_991 = tpu.vector_load %arg9[%get3A_989, %get3A_990] {strides = array<i32>} : memref<256x128xf32, #tpu.memory_space<vmem>>, vector<16xf32>,
        %get3A_992 = arith.index_cast %add3A_776 : i32 to index
        %get3A_993 = arith.constant 96 : index
        %get3A_994 = tpu.vector_load %arg10[%get3A_992, %get3A_993] {strides = array<i32>} : memref<256x128xf32, #tpu.memory_space<vmem>>, vector<16xf32>,
        %mul3A_995 = arith.mulf %get3A_991, %get3A_994 : vector<16xf32>
        %add3A_996 = arith.addf %add3A_964, %mul3A_995 : vector<16xf32>
        %get3A_997 = arith.index_cast %add3A_755 : i32 to index
        %get3A_998 = arith.constant 112 : index
        %get3A_999 = tpu.vector_load %arg9[%get3A_997, %get3A_998] {strides = array<i32>} : memref<256x128xf32, #tpu.memory_space<vmem>>, vector<16xf32>,
        %get3A_1000 = arith.index_cast %add3A_755 : i32 to index
        %get3A_1001 = arith.constant 112 : index
        %get3A_1002 = tpu.vector_load %arg10[%get3A_1000, %get3A_1001] {strides = array<i32>} : memref<256x128xf32, #tpu.memory_space<vmem>>, vector<16xf32>,
        %mul3A_1003 = arith.mulf %get3A_999, %get3A_1002 : vector<16xf32>
        %add3A_1004 = arith.addf %add3A_972, %mul3A_1003 : vector<16xf32>
        %get3A_1005 = arith.index_cast %add3A_762 : i32 to index
        %get3A_1006 = arith.constant 112 : index
        %get3A_1007 = tpu.vector_load %arg9[%get3A_1005, %get3A_1006] {strides = array<i32>} : memref<256x128xf32, #tpu.memory_space<vmem>>, vector<16xf32>,
        %get3A_1008 = arith.index_cast %add3A_762 : i32 to index
        %get3A_1009 = arith.constant 112 : index
        %get3A_1010 = tpu.vector_load %arg10[%get3A_1008, %get3A_1009] {strides = array<i32>} : memref<256x128xf32, #tpu.memory_space<vmem>>, vector<16xf32>,
        %mul3A_1011 = arith.mulf %get3A_1007, %get3A_1010 : vector<16xf32>
        %add3A_1012 = arith.addf %add3A_980, %mul3A_1011 : vector<16xf32>
        %get3A_1013 = arith.index_cast %add3A_769 : i32 to index
        %get3A_1014 = arith.constant 112 : index
        %get3A_1015 = tpu.vector_load %arg9[%get3A_1013, %get3A_1014] {strides = array<i32>} : memref<256x128xf32, #tpu.memory_space<vmem>>, vector<16xf32>,
        %get3A_1016 = arith.index_cast %add3A_769 : i32 to index
        %get3A_1017 = arith.constant 112 : index
        %get3A_1018 = tpu.vector_load %arg10[%get3A_1016, %get3A_1017] {strides = array<i32>} : memref<256x128xf32, #tpu.memory_space<vmem>>, vector<16xf32>,
        %mul3A_1019 = arith.mulf %get3A_1015, %get3A_1018 : vector<16xf32>
        %add3A_1020 = arith.addf %add3A_988, %mul3A_1019 : vector<16xf32>
        %get3A_1021 = arith.index_cast %add3A_776 : i32 to index
        %get3A_1022 = arith.constant 112 : index
        %get3A_1023 = tpu.vector_load %arg9[%get3A_1021, %get3A_1022] {strides = array<i32>} : memref<256x128xf32, #tpu.memory_space<vmem>>, vector<16xf32>,
        %get3A_1024 = arith.index_cast %add3A_776 : i32 to index
        %get3A_1025 = arith.constant 112 : index
        %get3A_1026 = tpu.vector_load %arg10[%get3A_1024, %get3A_1025] {strides = array<i32>} : memref<256x128xf32, #tpu.memory_space<vmem>>, vector<16xf32>,
        %mul3A_1027 = arith.mulf %get3A_1023, %get3A_1026 : vector<16xf32>
        %add3A_1028 = arith.addf %add3A_996, %mul3A_1027 : vector<16xf32>
        %swap3A_1029 = arith.constant 8 : i32
        %swap3A_1030 = arith.index_cast %swap3A_1029 : i32 to index
        %swap3A_1031 = arith.constant 0 : index
        %swap3A_1032 = tpu.vector_load %arg13[%swap3A_1030, %swap3A_1031] {strides = array<i32>} : memref<16x17xf32, #tpu.memory_space<vmem>>, vector<16xf32>,
        tpu.vector_store %arg13[%swap3A_1030, %swap3A_1031], %add3A_1004 {strides = array<i32>} : memref<16x17xf32, #tpu.memory_space<vmem>>, vector<16xf32>,
        %swap3A_1033 = arith.constant 9 : i32
        %swap3A_1034 = arith.index_cast %swap3A_1033 : i32 to index
        %swap3A_1035 = arith.constant 0 : index
        %swap3A_1036 = tpu.vector_load %arg13[%swap3A_1034, %swap3A_1035] {strides = array<i32>} : memref<16x17xf32, #tpu.memory_space<vmem>>, vector<16xf32>,
        tpu.vector_store %arg13[%swap3A_1034, %swap3A_1035], %add3A_1012 {strides = array<i32>} : memref<16x17xf32, #tpu.memory_space<vmem>>, vector<16xf32>,
        %swap3A_1037 = arith.constant 10 : i32
        %swap3A_1038 = arith.index_cast %swap3A_1037 : i32 to index
        %swap3A_1039 = arith.constant 0 : index
        %swap3A_1040 = tpu.vector_load %arg13[%swap3A_1038, %swap3A_1039] {strides = array<i32>} : memref<16x17xf32, #tpu.memory_space<vmem>>, vector<16xf32>,
        tpu.vector_store %arg13[%swap3A_1038, %swap3A_1039], %add3A_1020 {strides = array<i32>} : memref<16x17xf32, #tpu.memory_space<vmem>>, vector<16xf32>,
        %swap3A_1041 = arith.constant 11 : i32
        %swap3A_1042 = arith.index_cast %swap3A_1041 : i32 to index
        %swap3A_1043 = arith.constant 0 : index
        %swap3A_1044 = tpu.vector_load %arg13[%swap3A_1042, %swap3A_1043] {strides = array<i32>} : memref<16x17xf32, #tpu.memory_space<vmem>>, vector<16xf32>,
        tpu.vector_store %arg13[%swap3A_1042, %swap3A_1043], %add3A_1028 {strides = array<i32>} : memref<16x17xf32, #tpu.memory_space<vmem>>, vector<16xf32>,
        %mul3A_1045 = arith.constant 16 : i32
        %mul3A_1046 = arith.muli %scan3A_158, %mul3A_1045 : i32
        %add3A_1047 = arith.addi %select_n3A_128, %mul3A_1046 : i32
        %add3A_1048 = arith.constant 12 : i32
        %add3A_1049 = arith.addi %add3A_1047, %add3A_1048 : i32
        %add3A_1050 = arith.constant 0 : i32
        %add3A_1051 = arith.addi %add3A_1049, %add3A_1050 : i32
        %mul3A_1052 = arith.constant 16 : i32
        %mul3A_1053 = arith.muli %scan3A_158, %mul3A_1052 : i32
        %add3A_1054 = arith.addi %select_n3A_128, %mul3A_1053 : i32
        %add3A_1055 = arith.constant 12 : i32
        %add3A_1056 = arith.addi %add3A_1054, %add3A_1055 : i32
        %add3A_1057 = arith.constant 1 : i32
        %add3A_1058 = arith.addi %add3A_1056, %add3A_1057 : i32
        %mul3A_1059 = arith.constant 16 : i32
        %mul3A_1060 = arith.muli %scan3A_158, %mul3A_1059 : i32
        %add3A_1061 = arith.addi %select_n3A_128, %mul3A_1060 : i32
        %add3A_1062 = arith.constant 12 : i32
        %add3A_1063 = arith.addi %add3A_1061, %add3A_1062 : i32
        %add3A_1064 = arith.constant 2 : i32
        %add3A_1065 = arith.addi %add3A_1063, %add3A_1064 : i32
        %mul3A_1066 = arith.constant 16 : i32
        %mul3A_1067 = arith.muli %scan3A_158, %mul3A_1066 : i32
        %add3A_1068 = arith.addi %select_n3A_128, %mul3A_1067 : i32
        %add3A_1069 = arith.constant 12 : i32
        %add3A_1070 = arith.addi %add3A_1068, %add3A_1069 : i32
        %add3A_1071 = arith.constant 3 : i32
        %add3A_1072 = arith.addi %add3A_1070, %add3A_1071 : i32
        %get3A_1073 = arith.index_cast %add3A_1051 : i32 to index
        %get3A_1074 = arith.constant 0 : index
        %get3A_1075 = tpu.vector_load %arg9[%get3A_1073, %get3A_1074] {strides = array<i32>} : memref<256x128xf32, #tpu.memory_space<vmem>>, vector<16xf32>,
        %get3A_1076 = arith.index_cast %add3A_1051 : i32 to index
        %get3A_1077 = arith.constant 0 : index
        %get3A_1078 = tpu.vector_load %arg10[%get3A_1076, %get3A_1077] {strides = array<i32>} : memref<256x128xf32, #tpu.memory_space<vmem>>, vector<16xf32>,
        %mul3A_1079 = arith.mulf %get3A_1075, %get3A_1078 : vector<16xf32>
        %get3A_1080 = arith.index_cast %add3A_1058 : i32 to index
        %get3A_1081 = arith.constant 0 : index
        %get3A_1082 = tpu.vector_load %arg9[%get3A_1080, %get3A_1081] {strides = array<i32>} : memref<256x128xf32, #tpu.memory_space<vmem>>, vector<16xf32>,
        %get3A_1083 = arith.index_cast %add3A_1058 : i32 to index
        %get3A_1084 = arith.constant 0 : index
        %get3A_1085 = tpu.vector_load %arg10[%get3A_1083, %get3A_1084] {strides = array<i32>} : memref<256x128xf32, #tpu.memory_space<vmem>>, vector<16xf32>,
        %mul3A_1086 = arith.mulf %get3A_1082, %get3A_1085 : vector<16xf32>
        %get3A_1087 = arith.index_cast %add3A_1065 : i32 to index
        %get3A_1088 = arith.constant 0 : index
        %get3A_1089 = tpu.vector_load %arg9[%get3A_1087, %get3A_1088] {strides = array<i32>} : memref<256x128xf32, #tpu.memory_space<vmem>>, vector<16xf32>,
        %get3A_1090 = arith.index_cast %add3A_1065 : i32 to index
        %get3A_1091 = arith.constant 0 : index
        %get3A_1092 = tpu.vector_load %arg10[%get3A_1090, %get3A_1091] {strides = array<i32>} : memref<256x128xf32, #tpu.memory_space<vmem>>, vector<16xf32>,
        %mul3A_1093 = arith.mulf %get3A_1089, %get3A_1092 : vector<16xf32>
        %get3A_1094 = arith.index_cast %add3A_1072 : i32 to index
        %get3A_1095 = arith.constant 0 : index
        %get3A_1096 = tpu.vector_load %arg9[%get3A_1094, %get3A_1095] {strides = array<i32>} : memref<256x128xf32, #tpu.memory_space<vmem>>, vector<16xf32>,
        %get3A_1097 = arith.index_cast %add3A_1072 : i32 to index
        %get3A_1098 = arith.constant 0 : index
        %get3A_1099 = tpu.vector_load %arg10[%get3A_1097, %get3A_1098] {strides = array<i32>} : memref<256x128xf32, #tpu.memory_space<vmem>>, vector<16xf32>,
        %mul3A_1100 = arith.mulf %get3A_1096, %get3A_1099 : vector<16xf32>
        %get3A_1101 = arith.index_cast %add3A_1051 : i32 to index
        %get3A_1102 = arith.constant 16 : index
        %get3A_1103 = tpu.vector_load %arg9[%get3A_1101, %get3A_1102] {strides = array<i32>} : memref<256x128xf32, #tpu.memory_space<vmem>>, vector<16xf32>,
        %get3A_1104 = arith.index_cast %add3A_1051 : i32 to index
        %get3A_1105 = arith.constant 16 : index
        %get3A_1106 = tpu.vector_load %arg10[%get3A_1104, %get3A_1105] {strides = array<i32>} : memref<256x128xf32, #tpu.memory_space<vmem>>, vector<16xf32>,
        %mul3A_1107 = arith.mulf %get3A_1103, %get3A_1106 : vector<16xf32>
        %add3A_1108 = arith.addf %mul3A_1079, %mul3A_1107 : vector<16xf32>
        %get3A_1109 = arith.index_cast %add3A_1058 : i32 to index
        %get3A_1110 = arith.constant 16 : index
        %get3A_1111 = tpu.vector_load %arg9[%get3A_1109, %get3A_1110] {strides = array<i32>} : memref<256x128xf32, #tpu.memory_space<vmem>>, vector<16xf32>,
        %get3A_1112 = arith.index_cast %add3A_1058 : i32 to index
        %get3A_1113 = arith.constant 16 : index
        %get3A_1114 = tpu.vector_load %arg10[%get3A_1112, %get3A_1113] {strides = array<i32>} : memref<256x128xf32, #tpu.memory_space<vmem>>, vector<16xf32>,
        %mul3A_1115 = arith.mulf %get3A_1111, %get3A_1114 : vector<16xf32>
        %add3A_1116 = arith.addf %mul3A_1086, %mul3A_1115 : vector<16xf32>
        %get3A_1117 = arith.index_cast %add3A_1065 : i32 to index
        %get3A_1118 = arith.constant 16 : index
        %get3A_1119 = tpu.vector_load %arg9[%get3A_1117, %get3A_1118] {strides = array<i32>} : memref<256x128xf32, #tpu.memory_space<vmem>>, vector<16xf32>,
        %get3A_1120 = arith.index_cast %add3A_1065 : i32 to index
        %get3A_1121 = arith.constant 16 : index
        %get3A_1122 = tpu.vector_load %arg10[%get3A_1120, %get3A_1121] {strides = array<i32>} : memref<256x128xf32, #tpu.memory_space<vmem>>, vector<16xf32>,
        %mul3A_1123 = arith.mulf %get3A_1119, %get3A_1122 : vector<16xf32>
        %add3A_1124 = arith.addf %mul3A_1093, %mul3A_1123 : vector<16xf32>
        %get3A_1125 = arith.index_cast %add3A_1072 : i32 to index
        %get3A_1126 = arith.constant 16 : index
        %get3A_1127 = tpu.vector_load %arg9[%get3A_1125, %get3A_1126] {strides = array<i32>} : memref<256x128xf32, #tpu.memory_space<vmem>>, vector<16xf32>,
        %get3A_1128 = arith.index_cast %add3A_1072 : i32 to index
        %get3A_1129 = arith.constant 16 : index
        %get3A_1130 = tpu.vector_load %arg10[%get3A_1128, %get3A_1129] {strides = array<i32>} : memref<256x128xf32, #tpu.memory_space<vmem>>, vector<16xf32>,
        %mul3A_1131 = arith.mulf %get3A_1127, %get3A_1130 : vector<16xf32>
        %add3A_1132 = arith.addf %mul3A_1100, %mul3A_1131 : vector<16xf32>
        %get3A_1133 = arith.index_cast %add3A_1051 : i32 to index
        %get3A_1134 = arith.constant 32 : index
        %get3A_1135 = tpu.vector_load %arg9[%get3A_1133, %get3A_1134] {strides = array<i32>} : memref<256x128xf32, #tpu.memory_space<vmem>>, vector<16xf32>,
        %get3A_1136 = arith.index_cast %add3A_1051 : i32 to index
        %get3A_1137 = arith.constant 32 : index
        %get3A_1138 = tpu.vector_load %arg10[%get3A_1136, %get3A_1137] {strides = array<i32>} : memref<256x128xf32, #tpu.memory_space<vmem>>, vector<16xf32>,
        %mul3A_1139 = arith.mulf %get3A_1135, %get3A_1138 : vector<16xf32>
        %add3A_1140 = arith.addf %add3A_1108, %mul3A_1139 : vector<16xf32>
        %get3A_1141 = arith.index_cast %add3A_1058 : i32 to index
        %get3A_1142 = arith.constant 32 : index
        %get3A_1143 = tpu.vector_load %arg9[%get3A_1141, %get3A_1142] {strides = array<i32>} : memref<256x128xf32, #tpu.memory_space<vmem>>, vector<16xf32>,
        %get3A_1144 = arith.index_cast %add3A_1058 : i32 to index
        %get3A_1145 = arith.constant 32 : index
        %get3A_1146 = tpu.vector_load %arg10[%get3A_1144, %get3A_1145] {strides = array<i32>} : memref<256x128xf32, #tpu.memory_space<vmem>>, vector<16xf32>,
        %mul3A_1147 = arith.mulf %get3A_1143, %get3A_1146 : vector<16xf32>
        %add3A_1148 = arith.addf %add3A_1116, %mul3A_1147 : vector<16xf32>
        %get3A_1149 = arith.index_cast %add3A_1065 : i32 to index
        %get3A_1150 = arith.constant 32 : index
        %get3A_1151 = tpu.vector_load %arg9[%get3A_1149, %get3A_1150] {strides = array<i32>} : memref<256x128xf32, #tpu.memory_space<vmem>>, vector<16xf32>,
        %get3A_1152 = arith.index_cast %add3A_1065 : i32 to index
        %get3A_1153 = arith.constant 32 : index
        %get3A_1154 = tpu.vector_load %arg10[%get3A_1152, %get3A_1153] {strides = array<i32>} : memref<256x128xf32, #tpu.memory_space<vmem>>, vector<16xf32>,
        %mul3A_1155 = arith.mulf %get3A_1151, %get3A_1154 : vector<16xf32>
        %add3A_1156 = arith.addf %add3A_1124, %mul3A_1155 : vector<16xf32>
        %get3A_1157 = arith.index_cast %add3A_1072 : i32 to index
        %get3A_1158 = arith.constant 32 : index
        %get3A_1159 = tpu.vector_load %arg9[%get3A_1157, %get3A_1158] {strides = array<i32>} : memref<256x128xf32, #tpu.memory_space<vmem>>, vector<16xf32>,
        %get3A_1160 = arith.index_cast %add3A_1072 : i32 to index
        %get3A_1161 = arith.constant 32 : index
        %get3A_1162 = tpu.vector_load %arg10[%get3A_1160, %get3A_1161] {strides = array<i32>} : memref<256x128xf32, #tpu.memory_space<vmem>>, vector<16xf32>,
        %mul3A_1163 = arith.mulf %get3A_1159, %get3A_1162 : vector<16xf32>
        %add3A_1164 = arith.addf %add3A_1132, %mul3A_1163 : vector<16xf32>
        %get3A_1165 = arith.index_cast %add3A_1051 : i32 to index
        %get3A_1166 = arith.constant 48 : index
        %get3A_1167 = tpu.vector_load %arg9[%get3A_1165, %get3A_1166] {strides = array<i32>} : memref<256x128xf32, #tpu.memory_space<vmem>>, vector<16xf32>,
        %get3A_1168 = arith.index_cast %add3A_1051 : i32 to index
        %get3A_1169 = arith.constant 48 : index
        %get3A_1170 = tpu.vector_load %arg10[%get3A_1168, %get3A_1169] {strides = array<i32>} : memref<256x128xf32, #tpu.memory_space<vmem>>, vector<16xf32>,
        %mul3A_1171 = arith.mulf %get3A_1167, %get3A_1170 : vector<16xf32>
        %add3A_1172 = arith.addf %add3A_1140, %mul3A_1171 : vector<16xf32>
        %get3A_1173 = arith.index_cast %add3A_1058 : i32 to index
        %get3A_1174 = arith.constant 48 : index
        %get3A_1175 = tpu.vector_load %arg9[%get3A_1173, %get3A_1174] {strides = array<i32>} : memref<256x128xf32, #tpu.memory_space<vmem>>, vector<16xf32>,
        %get3A_1176 = arith.index_cast %add3A_1058 : i32 to index
        %get3A_1177 = arith.constant 48 : index
        %get3A_1178 = tpu.vector_load %arg10[%get3A_1176, %get3A_1177] {strides = array<i32>} : memref<256x128xf32, #tpu.memory_space<vmem>>, vector<16xf32>,
        %mul3A_1179 = arith.mulf %get3A_1175, %get3A_1178 : vector<16xf32>
        %add3A_1180 = arith.addf %add3A_1148, %mul3A_1179 : vector<16xf32>
        %get3A_1181 = arith.index_cast %add3A_1065 : i32 to index
        %get3A_1182 = arith.constant 48 : index
        %get3A_1183 = tpu.vector_load %arg9[%get3A_1181, %get3A_1182] {strides = array<i32>} : memref<256x128xf32, #tpu.memory_space<vmem>>, vector<16xf32>,
        %get3A_1184 = arith.index_cast %add3A_1065 : i32 to index
        %get3A_1185 = arith.constant 48 : index
        %get3A_1186 = tpu.vector_load %arg10[%get3A_1184, %get3A_1185] {strides = array<i32>} : memref<256x128xf32, #tpu.memory_space<vmem>>, vector<16xf32>,
        %mul3A_1187 = arith.mulf %get3A_1183, %get3A_1186 : vector<16xf32>
        %add3A_1188 = arith.addf %add3A_1156, %mul3A_1187 : vector<16xf32>
        %get3A_1189 = arith.index_cast %add3A_1072 : i32 to index
        %get3A_1190 = arith.constant 48 : index
        %get3A_1191 = tpu.vector_load %arg9[%get3A_1189, %get3A_1190] {strides = array<i32>} : memref<256x128xf32, #tpu.memory_space<vmem>>, vector<16xf32>,
        %get3A_1192 = arith.index_cast %add3A_1072 : i32 to index
        %get3A_1193 = arith.constant 48 : index
        %get3A_1194 = tpu.vector_load %arg10[%get3A_1192, %get3A_1193] {strides = array<i32>} : memref<256x128xf32, #tpu.memory_space<vmem>>, vector<16xf32>,
        %mul3A_1195 = arith.mulf %get3A_1191, %get3A_1194 : vector<16xf32>
        %add3A_1196 = arith.addf %add3A_1164, %mul3A_1195 : vector<16xf32>
        %get3A_1197 = arith.index_cast %add3A_1051 : i32 to index
        %get3A_1198 = arith.constant 64 : index
        %get3A_1199 = tpu.vector_load %arg9[%get3A_1197, %get3A_1198] {strides = array<i32>} : memref<256x128xf32, #tpu.memory_space<vmem>>, vector<16xf32>,
        %get3A_1200 = arith.index_cast %add3A_1051 : i32 to index
        %get3A_1201 = arith.constant 64 : index
        %get3A_1202 = tpu.vector_load %arg10[%get3A_1200, %get3A_1201] {strides = array<i32>} : memref<256x128xf32, #tpu.memory_space<vmem>>, vector<16xf32>,
        %mul3A_1203 = arith.mulf %get3A_1199, %get3A_1202 : vector<16xf32>
        %add3A_1204 = arith.addf %add3A_1172, %mul3A_1203 : vector<16xf32>
        %get3A_1205 = arith.index_cast %add3A_1058 : i32 to index
        %get3A_1206 = arith.constant 64 : index
        %get3A_1207 = tpu.vector_load %arg9[%get3A_1205, %get3A_1206] {strides = array<i32>} : memref<256x128xf32, #tpu.memory_space<vmem>>, vector<16xf32>,
        %get3A_1208 = arith.index_cast %add3A_1058 : i32 to index
        %get3A_1209 = arith.constant 64 : index
        %get3A_1210 = tpu.vector_load %arg10[%get3A_1208, %get3A_1209] {strides = array<i32>} : memref<256x128xf32, #tpu.memory_space<vmem>>, vector<16xf32>,
        %mul3A_1211 = arith.mulf %get3A_1207, %get3A_1210 : vector<16xf32>
        %add3A_1212 = arith.addf %add3A_1180, %mul3A_1211 : vector<16xf32>
        %get3A_1213 = arith.index_cast %add3A_1065 : i32 to index
        %get3A_1214 = arith.constant 64 : index
        %get3A_1215 = tpu.vector_load %arg9[%get3A_1213, %get3A_1214] {strides = array<i32>} : memref<256x128xf32, #tpu.memory_space<vmem>>, vector<16xf32>,
        %get3A_1216 = arith.index_cast %add3A_1065 : i32 to index
        %get3A_1217 = arith.constant 64 : index
        %get3A_1218 = tpu.vector_load %arg10[%get3A_1216, %get3A_1217] {strides = array<i32>} : memref<256x128xf32, #tpu.memory_space<vmem>>, vector<16xf32>,
        %mul3A_1219 = arith.mulf %get3A_1215, %get3A_1218 : vector<16xf32>
        %add3A_1220 = arith.addf %add3A_1188, %mul3A_1219 : vector<16xf32>
        %get3A_1221 = arith.index_cast %add3A_1072 : i32 to index
        %get3A_1222 = arith.constant 64 : index
        %get3A_1223 = tpu.vector_load %arg9[%get3A_1221, %get3A_1222] {strides = array<i32>} : memref<256x128xf32, #tpu.memory_space<vmem>>, vector<16xf32>,
        %get3A_1224 = arith.index_cast %add3A_1072 : i32 to index
        %get3A_1225 = arith.constant 64 : index
        %get3A_1226 = tpu.vector_load %arg10[%get3A_1224, %get3A_1225] {strides = array<i32>} : memref<256x128xf32, #tpu.memory_space<vmem>>, vector<16xf32>,
        %mul3A_1227 = arith.mulf %get3A_1223, %get3A_1226 : vector<16xf32>
        %add3A_1228 = arith.addf %add3A_1196, %mul3A_1227 : vector<16xf32>
        %get3A_1229 = arith.index_cast %add3A_1051 : i32 to index
        %get3A_1230 = arith.constant 80 : index
        %get3A_1231 = tpu.vector_load %arg9[%get3A_1229, %get3A_1230] {strides = array<i32>} : memref<256x128xf32, #tpu.memory_space<vmem>>, vector<16xf32>,
        %get3A_1232 = arith.index_cast %add3A_1051 : i32 to index
        %get3A_1233 = arith.constant 80 : index
        %get3A_1234 = tpu.vector_load %arg10[%get3A_1232, %get3A_1233] {strides = array<i32>} : memref<256x128xf32, #tpu.memory_space<vmem>>, vector<16xf32>,
        %mul3A_1235 = arith.mulf %get3A_1231, %get3A_1234 : vector<16xf32>
        %add3A_1236 = arith.addf %add3A_1204, %mul3A_1235 : vector<16xf32>
        %get3A_1237 = arith.index_cast %add3A_1058 : i32 to index
        %get3A_1238 = arith.constant 80 : index
        %get3A_1239 = tpu.vector_load %arg9[%get3A_1237, %get3A_1238] {strides = array<i32>} : memref<256x128xf32, #tpu.memory_space<vmem>>, vector<16xf32>,
        %get3A_1240 = arith.index_cast %add3A_1058 : i32 to index
        %get3A_1241 = arith.constant 80 : index
        %get3A_1242 = tpu.vector_load %arg10[%get3A_1240, %get3A_1241] {strides = array<i32>} : memref<256x128xf32, #tpu.memory_space<vmem>>, vector<16xf32>,
        %mul3A_1243 = arith.mulf %get3A_1239, %get3A_1242 : vector<16xf32>
        %add3A_1244 = arith.addf %add3A_1212, %mul3A_1243 : vector<16xf32>
        %get3A_1245 = arith.index_cast %add3A_1065 : i32 to index
        %get3A_1246 = arith.constant 80 : index
        %get3A_1247 = tpu.vector_load %arg9[%get3A_1245, %get3A_1246] {strides = array<i32>} : memref<256x128xf32, #tpu.memory_space<vmem>>, vector<16xf32>,
        %get3A_1248 = arith.index_cast %add3A_1065 : i32 to index
        %get3A_1249 = arith.constant 80 : index
        %get3A_1250 = tpu.vector_load %arg10[%get3A_1248, %get3A_1249] {strides = array<i32>} : memref<256x128xf32, #tpu.memory_space<vmem>>, vector<16xf32>,
        %mul3A_1251 = arith.mulf %get3A_1247, %get3A_1250 : vector<16xf32>
        %add3A_1252 = arith.addf %add3A_1220, %mul3A_1251 : vector<16xf32>
        %get3A_1253 = arith.index_cast %add3A_1072 : i32 to index
        %get3A_1254 = arith.constant 80 : index
        %get3A_1255 = tpu.vector_load %arg9[%get3A_1253, %get3A_1254] {strides = array<i32>} : memref<256x128xf32, #tpu.memory_space<vmem>>, vector<16xf32>,
        %get3A_1256 = arith.index_cast %add3A_1072 : i32 to index
        %get3A_1257 = arith.constant 80 : index
        %get3A_1258 = tpu.vector_load %arg10[%get3A_1256, %get3A_1257] {strides = array<i32>} : memref<256x128xf32, #tpu.memory_space<vmem>>, vector<16xf32>,
        %mul3A_1259 = arith.mulf %get3A_1255, %get3A_1258 : vector<16xf32>
        %add3A_1260 = arith.addf %add3A_1228, %mul3A_1259 : vector<16xf32>
        %get3A_1261 = arith.index_cast %add3A_1051 : i32 to index
        %get3A_1262 = arith.constant 96 : index
        %get3A_1263 = tpu.vector_load %arg9[%get3A_1261, %get3A_1262] {strides = array<i32>} : memref<256x128xf32, #tpu.memory_space<vmem>>, vector<16xf32>,
        %get3A_1264 = arith.index_cast %add3A_1051 : i32 to index
        %get3A_1265 = arith.constant 96 : index
        %get3A_1266 = tpu.vector_load %arg10[%get3A_1264, %get3A_1265] {strides = array<i32>} : memref<256x128xf32, #tpu.memory_space<vmem>>, vector<16xf32>,
        %mul3A_1267 = arith.mulf %get3A_1263, %get3A_1266 : vector<16xf32>
        %add3A_1268 = arith.addf %add3A_1236, %mul3A_1267 : vector<16xf32>
        %get3A_1269 = arith.index_cast %add3A_1058 : i32 to index
        %get3A_1270 = arith.constant 96 : index
        %get3A_1271 = tpu.vector_load %arg9[%get3A_1269, %get3A_1270] {strides = array<i32>} : memref<256x128xf32, #tpu.memory_space<vmem>>, vector<16xf32>,
        %get3A_1272 = arith.index_cast %add3A_1058 : i32 to index
        %get3A_1273 = arith.constant 96 : index
        %get3A_1274 = tpu.vector_load %arg10[%get3A_1272, %get3A_1273] {strides = array<i32>} : memref<256x128xf32, #tpu.memory_space<vmem>>, vector<16xf32>,
        %mul3A_1275 = arith.mulf %get3A_1271, %get3A_1274 : vector<16xf32>
        %add3A_1276 = arith.addf %add3A_1244, %mul3A_1275 : vector<16xf32>
        %get3A_1277 = arith.index_cast %add3A_1065 : i32 to index
        %get3A_1278 = arith.constant 96 : index
        %get3A_1279 = tpu.vector_load %arg9[%get3A_1277, %get3A_1278] {strides = array<i32>} : memref<256x128xf32, #tpu.memory_space<vmem>>, vector<16xf32>,
        %get3A_1280 = arith.index_cast %add3A_1065 : i32 to index
        %get3A_1281 = arith.constant 96 : index
        %get3A_1282 = tpu.vector_load %arg10[%get3A_1280, %get3A_1281] {strides = array<i32>} : memref<256x128xf32, #tpu.memory_space<vmem>>, vector<16xf32>,
        %mul3A_1283 = arith.mulf %get3A_1279, %get3A_1282 : vector<16xf32>
        %add3A_1284 = arith.addf %add3A_1252, %mul3A_1283 : vector<16xf32>
        %get3A_1285 = arith.index_cast %add3A_1072 : i32 to index
        %get3A_1286 = arith.constant 96 : index
        %get3A_1287 = tpu.vector_load %arg9[%get3A_1285, %get3A_1286] {strides = array<i32>} : memref<256x128xf32, #tpu.memory_space<vmem>>, vector<16xf32>,
        %get3A_1288 = arith.index_cast %add3A_1072 : i32 to index
        %get3A_1289 = arith.constant 96 : index
        %get3A_1290 = tpu.vector_load %arg10[%get3A_1288, %get3A_1289] {strides = array<i32>} : memref<256x128xf32, #tpu.memory_space<vmem>>, vector<16xf32>,
        %mul3A_1291 = arith.mulf %get3A_1287, %get3A_1290 : vector<16xf32>
        %add3A_1292 = arith.addf %add3A_1260, %mul3A_1291 : vector<16xf32>
        %get3A_1293 = arith.index_cast %add3A_1051 : i32 to index
        %get3A_1294 = arith.constant 112 : index
        %get3A_1295 = tpu.vector_load %arg9[%get3A_1293, %get3A_1294] {strides = array<i32>} : memref<256x128xf32, #tpu.memory_space<vmem>>, vector<16xf32>,
        %get3A_1296 = arith.index_cast %add3A_1051 : i32 to index
        %get3A_1297 = arith.constant 112 : index
        %get3A_1298 = tpu.vector_load %arg10[%get3A_1296, %get3A_1297] {strides = array<i32>} : memref<256x128xf32, #tpu.memory_space<vmem>>, vector<16xf32>,
        %mul3A_1299 = arith.mulf %get3A_1295, %get3A_1298 : vector<16xf32>
        %add3A_1300 = arith.addf %add3A_1268, %mul3A_1299 : vector<16xf32>
        %get3A_1301 = arith.index_cast %add3A_1058 : i32 to index
        %get3A_1302 = arith.constant 112 : index
        %get3A_1303 = tpu.vector_load %arg9[%get3A_1301, %get3A_1302] {strides = array<i32>} : memref<256x128xf32, #tpu.memory_space<vmem>>, vector<16xf32>,
        %get3A_1304 = arith.index_cast %add3A_1058 : i32 to index
        %get3A_1305 = arith.constant 112 : index
        %get3A_1306 = tpu.vector_load %arg10[%get3A_1304, %get3A_1305] {strides = array<i32>} : memref<256x128xf32, #tpu.memory_space<vmem>>, vector<16xf32>,
        %mul3A_1307 = arith.mulf %get3A_1303, %get3A_1306 : vector<16xf32>
        %add3A_1308 = arith.addf %add3A_1276, %mul3A_1307 : vector<16xf32>
        %get3A_1309 = arith.index_cast %add3A_1065 : i32 to index
        %get3A_1310 = arith.constant 112 : index
        %get3A_1311 = tpu.vector_load %arg9[%get3A_1309, %get3A_1310] {strides = array<i32>} : memref<256x128xf32, #tpu.memory_space<vmem>>, vector<16xf32>,
        %get3A_1312 = arith.index_cast %add3A_1065 : i32 to index
        %get3A_1313 = arith.constant 112 : index
        %get3A_1314 = tpu.vector_load %arg10[%get3A_1312, %get3A_1313] {strides = array<i32>} : memref<256x128xf32, #tpu.memory_space<vmem>>, vector<16xf32>,
        %mul3A_1315 = arith.mulf %get3A_1311, %get3A_1314 : vector<16xf32>
        %add3A_1316 = arith.addf %add3A_1284, %mul3A_1315 : vector<16xf32>
        %get3A_1317 = arith.index_cast %add3A_1072 : i32 to index
        %get3A_1318 = arith.constant 112 : index
        %get3A_1319 = tpu.vector_load %arg9[%get3A_1317, %get3A_1318] {strides = array<i32>} : memref<256x128xf32, #tpu.memory_space<vmem>>, vector<16xf32>,
        %get3A_1320 = arith.index_cast %add3A_1072 : i32 to index
        %get3A_1321 = arith.constant 112 : index
        %get3A_1322 = tpu.vector_load %arg10[%get3A_1320, %get3A_1321] {strides = array<i32>} : memref<256x128xf32, #tpu.memory_space<vmem>>, vector<16xf32>,
        %mul3A_1323 = arith.mulf %get3A_1319, %get3A_1322 : vector<16xf32>
        %add3A_1324 = arith.addf %add3A_1292, %mul3A_1323 : vector<16xf32>
        %swap3A_1325 = arith.constant 12 : i32
        %swap3A_1326 = arith.index_cast %swap3A_1325 : i32 to index
        %swap3A_1327 = arith.constant 0 : index
        %swap3A_1328 = tpu.vector_load %arg13[%swap3A_1326, %swap3A_1327] {strides = array<i32>} : memref<16x17xf32, #tpu.memory_space<vmem>>, vector<16xf32>,
        tpu.vector_store %arg13[%swap3A_1326, %swap3A_1327], %add3A_1300 {strides = array<i32>} : memref<16x17xf32, #tpu.memory_space<vmem>>, vector<16xf32>,
        %swap3A_1329 = arith.constant 13 : i32
        %swap3A_1330 = arith.index_cast %swap3A_1329 : i32 to index
        %swap3A_1331 = arith.constant 0 : index
        %swap3A_1332 = tpu.vector_load %arg13[%swap3A_1330, %swap3A_1331] {strides = array<i32>} : memref<16x17xf32, #tpu.memory_space<vmem>>, vector<16xf32>,
        tpu.vector_store %arg13[%swap3A_1330, %swap3A_1331], %add3A_1308 {strides = array<i32>} : memref<16x17xf32, #tpu.memory_space<vmem>>, vector<16xf32>,
        %swap3A_1333 = arith.constant 14 : i32
        %swap3A_1334 = arith.index_cast %swap3A_1333 : i32 to index
        %swap3A_1335 = arith.constant 0 : index
        %swap3A_1336 = tpu.vector_load %arg13[%swap3A_1334, %swap3A_1335] {strides = array<i32>} : memref<16x17xf32, #tpu.memory_space<vmem>>, vector<16xf32>,
        tpu.vector_store %arg13[%swap3A_1334, %swap3A_1335], %add3A_1316 {strides = array<i32>} : memref<16x17xf32, #tpu.memory_space<vmem>>, vector<16xf32>,
        %swap3A_1337 = arith.constant 15 : i32
        %swap3A_1338 = arith.index_cast %swap3A_1337 : i32 to index
        %swap3A_1339 = arith.constant 0 : index
        %swap3A_1340 = tpu.vector_load %arg13[%swap3A_1338, %swap3A_1339] {strides = array<i32>} : memref<16x17xf32, #tpu.memory_space<vmem>>, vector<16xf32>,
        tpu.vector_store %arg13[%swap3A_1338, %swap3A_1339], %add3A_1324 {strides = array<i32>} : memref<16x17xf32, #tpu.memory_space<vmem>>, vector<16xf32>,
        %broadcast_in_dim3A = arith.constant 0 : i32
        %broadcast_in_dim3A_1341 = vector.broadcast %broadcast_in_dim3A : i32 to vector<16xi32>
        %gather3A = tpu.vector_load_idx %arg13[%iota3A, %broadcast_in_dim3A_1341] : memref<16x17xf32, #tpu.memory_space<vmem>>[vector<16xi32>, vector<16xi32>], vector<16xf32>,
        %broadcast_in_dim3A_1342 = arith.constant 1 : i32
        %broadcast_in_dim3A_1343 = vector.broadcast %broadcast_in_dim3A_1342 : i32 to vector<16xi32>
        %gather3A_1344 = tpu.vector_load_idx %arg13[%iota3A, %broadcast_in_dim3A_1343] : memref<16x17xf32, #tpu.memory_space<vmem>>[vector<16xi32>, vector<16xi32>], vector<16xf32>,
        %broadcast_in_dim3A_1345 = arith.constant 2 : i32
        %broadcast_in_dim3A_1346 = vector.broadcast %broadcast_in_dim3A_1345 : i32 to vector<16xi32>
        %gather3A_1347 = tpu.vector_load_idx %arg13[%iota3A, %broadcast_in_dim3A_1346] : memref<16x17xf32, #tpu.memory_space<vmem>>[vector<16xi32>, vector<16xi32>], vector<16xf32>,
        %broadcast_in_dim3A_1348 = arith.constant 3 : i32
        %broadcast_in_dim3A_1349 = vector.broadcast %broadcast_in_dim3A_1348 : i32 to vector<16xi32>
        %gather3A_1350 = tpu.vector_load_idx %arg13[%iota3A, %broadcast_in_dim3A_1349] : memref<16x17xf32, #tpu.memory_space<vmem>>[vector<16xi32>, vector<16xi32>], vector<16xf32>,
        %broadcast_in_dim3A_1351 = arith.constant 4 : i32
        %broadcast_in_dim3A_1352 = vector.broadcast %broadcast_in_dim3A_1351 : i32 to vector<16xi32>
        %gather3A_1353 = tpu.vector_load_idx %arg13[%iota3A, %broadcast_in_dim3A_1352] : memref<16x17xf32, #tpu.memory_space<vmem>>[vector<16xi32>, vector<16xi32>], vector<16xf32>,
        %broadcast_in_dim3A_1354 = arith.constant 5 : i32
        %broadcast_in_dim3A_1355 = vector.broadcast %broadcast_in_dim3A_1354 : i32 to vector<16xi32>
        %gather3A_1356 = tpu.vector_load_idx %arg13[%iota3A, %broadcast_in_dim3A_1355] : memref<16x17xf32, #tpu.memory_space<vmem>>[vector<16xi32>, vector<16xi32>], vector<16xf32>,
        %broadcast_in_dim3A_1357 = arith.constant 6 : i32
        %broadcast_in_dim3A_1358 = vector.broadcast %broadcast_in_dim3A_1357 : i32 to vector<16xi32>
        %gather3A_1359 = tpu.vector_load_idx %arg13[%iota3A, %broadcast_in_dim3A_1358] : memref<16x17xf32, #tpu.memory_space<vmem>>[vector<16xi32>, vector<16xi32>], vector<16xf32>,
        %broadcast_in_dim3A_1360 = arith.constant 7 : i32
        %broadcast_in_dim3A_1361 = vector.broadcast %broadcast_in_dim3A_1360 : i32 to vector<16xi32>
        %gather3A_1362 = tpu.vector_load_idx %arg13[%iota3A, %broadcast_in_dim3A_1361] : memref<16x17xf32, #tpu.memory_space<vmem>>[vector<16xi32>, vector<16xi32>], vector<16xf32>,
        %broadcast_in_dim3A_1363 = arith.constant 8 : i32
        %broadcast_in_dim3A_1364 = vector.broadcast %broadcast_in_dim3A_1363 : i32 to vector<16xi32>
        %gather3A_1365 = tpu.vector_load_idx %arg13[%iota3A, %broadcast_in_dim3A_1364] : memref<16x17xf32, #tpu.memory_space<vmem>>[vector<16xi32>, vector<16xi32>], vector<16xf32>,
        %broadcast_in_dim3A_1366 = arith.constant 9 : i32
        %broadcast_in_dim3A_1367 = vector.broadcast %broadcast_in_dim3A_1366 : i32 to vector<16xi32>
        %gather3A_1368 = tpu.vector_load_idx %arg13[%iota3A, %broadcast_in_dim3A_1367] : memref<16x17xf32, #tpu.memory_space<vmem>>[vector<16xi32>, vector<16xi32>], vector<16xf32>,
        %broadcast_in_dim3A_1369 = arith.constant 10 : i32
        %broadcast_in_dim3A_1370 = vector.broadcast %broadcast_in_dim3A_1369 : i32 to vector<16xi32>
        %gather3A_1371 = tpu.vector_load_idx %arg13[%iota3A, %broadcast_in_dim3A_1370] : memref<16x17xf32, #tpu.memory_space<vmem>>[vector<16xi32>, vector<16xi32>], vector<16xf32>,
        %broadcast_in_dim3A_1372 = arith.constant 11 : i32
        %broadcast_in_dim3A_1373 = vector.broadcast %broadcast_in_dim3A_1372 : i32 to vector<16xi32>
        %gather3A_1374 = tpu.vector_load_idx %arg13[%iota3A, %broadcast_in_dim3A_1373] : memref<16x17xf32, #tpu.memory_space<vmem>>[vector<16xi32>, vector<16xi32>], vector<16xf32>,
        %broadcast_in_dim3A_1375 = arith.constant 12 : i32
        %broadcast_in_dim3A_1376 = vector.broadcast %broadcast_in_dim3A_1375 : i32 to vector<16xi32>
        %gather3A_1377 = tpu.vector_load_idx %arg13[%iota3A, %broadcast_in_dim3A_1376] : memref<16x17xf32, #tpu.memory_space<vmem>>[vector<16xi32>, vector<16xi32>], vector<16xf32>,
        %broadcast_in_dim3A_1378 = arith.constant 13 : i32
        %broadcast_in_dim3A_1379 = vector.broadcast %broadcast_in_dim3A_1378 : i32 to vector<16xi32>
        %gather3A_1380 = tpu.vector_load_idx %arg13[%iota3A, %broadcast_in_dim3A_1379] : memref<16x17xf32, #tpu.memory_space<vmem>>[vector<16xi32>, vector<16xi32>], vector<16xf32>,
        %broadcast_in_dim3A_1381 = arith.constant 14 : i32
        %broadcast_in_dim3A_1382 = vector.broadcast %broadcast_in_dim3A_1381 : i32 to vector<16xi32>
        %gather3A_1383 = tpu.vector_load_idx %arg13[%iota3A, %broadcast_in_dim3A_1382] : memref<16x17xf32, #tpu.memory_space<vmem>>[vector<16xi32>, vector<16xi32>], vector<16xf32>,
        %broadcast_in_dim3A_1384 = arith.constant 15 : i32
        %broadcast_in_dim3A_1385 = vector.broadcast %broadcast_in_dim3A_1384 : i32 to vector<16xi32>
        %gather3A_1386 = tpu.vector_load_idx %arg13[%iota3A, %broadcast_in_dim3A_1385] : memref<16x17xf32, #tpu.memory_space<vmem>>[vector<16xi32>, vector<16xi32>], vector<16xf32>,
        %add3A_1387 = arith.addf %gather3A, %gather3A_1344 : vector<16xf32>
        %add3A_1388 = arith.addf %gather3A_1347, %gather3A_1350 : vector<16xf32>
        %add3A_1389 = arith.addf %gather3A_1353, %gather3A_1356 : vector<16xf32>
        %add3A_1390 = arith.addf %gather3A_1359, %gather3A_1362 : vector<16xf32>
        %add3A_1391 = arith.addf %gather3A_1365, %gather3A_1368 : vector<16xf32>
        %add3A_1392 = arith.addf %gather3A_1371, %gather3A_1374 : vector<16xf32>
        %add3A_1393 = arith.addf %gather3A_1377, %gather3A_1380 : vector<16xf32>
        %add3A_1394 = arith.addf %gather3A_1383, %gather3A_1386 : vector<16xf32>
        %add3A_1395 = arith.addf %add3A_1387, %add3A_1388 : vector<16xf32>
        %add3A_1396 = arith.addf %add3A_1389, %add3A_1390 : vector<16xf32>
        %add3A_1397 = arith.addf %add3A_1391, %add3A_1392 : vector<16xf32>
        %add3A_1398 = arith.addf %add3A_1393, %add3A_1394 : vector<16xf32>
        %add3A_1399 = arith.addf %add3A_1395, %add3A_1396 : vector<16xf32>
        %add3A_1400 = arith.addf %add3A_1397, %add3A_1398 : vector<16xf32>
        %add3A_1401 = arith.addf %add3A_1399, %add3A_1400 : vector<16xf32>
        %mul3A_1402 = arith.constant 128 : i32
        %mul3A_1403 = arith.muli %scan3A_114, %mul3A_1402 : i32
        %mul3A_1404 = arith.constant 16 : i32
        %mul3A_1405 = arith.muli %scan3A_158, %mul3A_1404 : i32
        %add3A_1406 = arith.addi %mul3A_1403, %mul3A_1405 : i32
        %swap3A_1407 = arith.index_cast %add3A_1406 : i32 to index
        %swap3A_1408 = tpu.vector_load %arg12[%swap3A_1407] {strides = array<i32>} : memref<512xf32, #tpu.memory_space<vmem>>, vector<16xf32>,
        tpu.vector_store %arg12[%swap3A_1407], %add3A_1401 {strides = array<i32>} : memref<512xf32, #tpu.memory_space<vmem>>, vector<16xf32>,
      }
      %scan3A_157 = arith.constant 8 : i32
    }
    %scan3A_73 = arith.constant 4 : i32
    %dma_wait3A_74 = arith.constant 0 : i32
    %dma_wait3A_75 = tpu.memref_slice %arg11[%dma_wait3A_74] : memref<512xf32, #tpu.memory_space<vmem>> -> memref<128xf32, #tpu.memory_space<vmem>>
    %dma_wait3A_76 = arith.constant 0 : i32
    %dma_wait3A_77 = tpu.memref_slice %arg5[%dma_wait3A_76] : memref<100000xf32, #tpu.memory_space<hbm>> -> memref<128xf32, #tpu.memory_space<hbm>>
    %dma_wait3A_78 = arith.constant 0 : i32
    %dma_wait3A_79 = tpu.memref_slice %arg11[%dma_wait3A_78] : memref<512xf32, #tpu.memory_space<vmem>> -> memref<128xf32, #tpu.memory_space<vmem>>
    %dma_wait3A_80 = arith.constant 0 : i32
    %dma_wait3A_81 = tpu.memref_slice %arg5[%dma_wait3A_80] : memref<100000xf32, #tpu.memory_space<hbm>> -> memref<128xf32, #tpu.memory_space<hbm>>
    tpu.wait_dma2 semaphore(%arg16 : memref<!tpu.dma_semaphore, #tpu.memory_space<semaphore_mem>>) src(%dma_wait3A_81 : memref<128xf32, #tpu.memory_space<hbm>>) dst(%dma_wait3A_79 : memref<128xf32, #tpu.memory_space<vmem>>)
    %dma_wait3A_82 = arith.constant 128 : i32
    %dma_wait3A_83 = tpu.memref_slice %arg11[%dma_wait3A_82] : memref<512xf32, #tpu.memory_space<vmem>> -> memref<128xf32, #tpu.memory_space<vmem>>
    %dma_wait3A_84 = arith.constant 0 : i32
    %dma_wait3A_85 = tpu.memref_slice %arg5[%dma_wait3A_84] : memref<100000xf32, #tpu.memory_space<hbm>> -> memref<128xf32, #tpu.memory_space<hbm>>
    %dma_wait3A_86 = arith.constant 128 : i32
    %dma_wait3A_87 = tpu.memref_slice %arg11[%dma_wait3A_86] : memref<512xf32, #tpu.memory_space<vmem>> -> memref<128xf32, #tpu.memory_space<vmem>>
    %dma_wait3A_88 = arith.constant 0 : i32
    %dma_wait3A_89 = tpu.memref_slice %arg5[%dma_wait3A_88] : memref<100000xf32, #tpu.memory_space<hbm>> -> memref<128xf32, #tpu.memory_space<hbm>>
    tpu.wait_dma2 semaphore(%arg16 : memref<!tpu.dma_semaphore, #tpu.memory_space<semaphore_mem>>) src(%dma_wait3A_89 : memref<128xf32, #tpu.memory_space<hbm>>) dst(%dma_wait3A_87 : memref<128xf32, #tpu.memory_space<vmem>>)
    %dma_wait3A_90 = arith.constant 256 : i32
    %dma_wait3A_91 = tpu.memref_slice %arg11[%dma_wait3A_90] : memref<512xf32, #tpu.memory_space<vmem>> -> memref<128xf32, #tpu.memory_space<vmem>>
    %dma_wait3A_92 = arith.constant 0 : i32
    %dma_wait3A_93 = tpu.memref_slice %arg5[%dma_wait3A_92] : memref<100000xf32, #tpu.memory_space<hbm>> -> memref<128xf32, #tpu.memory_space<hbm>>
    %dma_wait3A_94 = arith.constant 256 : i32
    %dma_wait3A_95 = tpu.memref_slice %arg11[%dma_wait3A_94] : memref<512xf32, #tpu.memory_space<vmem>> -> memref<128xf32, #tpu.memory_space<vmem>>
    %dma_wait3A_96 = arith.constant 0 : i32
    %dma_wait3A_97 = tpu.memref_slice %arg5[%dma_wait3A_96] : memref<100000xf32, #tpu.memory_space<hbm>> -> memref<128xf32, #tpu.memory_space<hbm>>
    tpu.wait_dma2 semaphore(%arg16 : memref<!tpu.dma_semaphore, #tpu.memory_space<semaphore_mem>>) src(%dma_wait3A_97 : memref<128xf32, #tpu.memory_space<hbm>>) dst(%dma_wait3A_95 : memref<128xf32, #tpu.memory_space<vmem>>)
    %dma_wait3A_98 = arith.constant 384 : i32
    %dma_wait3A_99 = tpu.memref_slice %arg11[%dma_wait3A_98] : memref<512xf32, #tpu.memory_space<vmem>> -> memref<128xf32, #tpu.memory_space<vmem>>
    %dma_wait3A_100 = arith.constant 0 : i32
    %dma_wait3A_101 = tpu.memref_slice %arg5[%dma_wait3A_100] : memref<100000xf32, #tpu.memory_space<hbm>> -> memref<128xf32, #tpu.memory_space<hbm>>
    %dma_wait3A_102 = arith.constant 384 : i32
    %dma_wait3A_103 = tpu.memref_slice %arg11[%dma_wait3A_102] : memref<512xf32, #tpu.memory_space<vmem>> -> memref<128xf32, #tpu.memory_space<vmem>>
    %dma_wait3A_104 = arith.constant 0 : i32
    %dma_wait3A_105 = tpu.memref_slice %arg5[%dma_wait3A_104] : memref<100000xf32, #tpu.memory_space<hbm>> -> memref<128xf32, #tpu.memory_space<hbm>>
    tpu.wait_dma2 semaphore(%arg16 : memref<!tpu.dma_semaphore, #tpu.memory_space<semaphore_mem>>) src(%dma_wait3A_105 : memref<128xf32, #tpu.memory_space<hbm>>) dst(%dma_wait3A_103 : memref<128xf32, #tpu.memory_space<vmem>>)
    %scan3A_106 = arith.constant 0 : i32
    %scan3A_107 = arith.constant 0 : i32
    %scan3A_108 = arith.constant 8 : i32
    %scan3A_109 = arith.addi %scan3A_107, %scan3A_108 : i32
    %scan3A_110 = arith.constant 1 : i32
    scf.for %scan3A_114 = %scan3A_107 to %scan3A_109 step %scan3A_110  : i32 {
      %mul3A_115 = arith.constant 4 : i32
      %mul3A_116 = arith.muli %scan3A_114, %mul3A_115 : i32
      %add3A_117 = arith.constant 0 : i32
      %add3A_118 = arith.addi %mul3A_116, %add3A_117 : i32
      %mul3A_119 = arith.constant 16 : i32
      %mul3A_120 = arith.muli %add3A_118, %mul3A_119 : i32
      %get3A = arith.index_cast %mul3A_120 : i32 to index
      %get3A_121 = tpu.vector_load %arg12[%get3A] {strides = array<i32>} : memref<512xf32, #tpu.memory_space<vmem>>, vector<16xf32>,
      %get3A_122 = arith.index_cast %mul3A_120 : i32 to index
      %get3A_123 = tpu.vector_load %arg11[%get3A_122] {strides = array<i32>} : memref<512xf32, #tpu.memory_space<vmem>>, vector<16xf32>,
      %add3A_124 = arith.addf %get3A_121, %get3A_123 : vector<16xf32>
      %neg3A = arith.constant 0.000000e+00 : f32
      %neg3A_125 = vector.broadcast %neg3A : f32 to vector<16xf32>
      %neg3A_126 = arith.subf %neg3A_125, %add3A_124 : vector<16xf32>
      %exp3A = math.exp %neg3A_126 : vector<16xf32>
      %add3A_127 = arith.constant 1.000000e+00 : f32
      %add3A_128 = vector.broadcast %add3A_127 : f32 to vector<16xf32>
      %add3A_129 = arith.addf %add3A_128, %exp3A : vector<16xf32>
      %div3A = arith.constant 1.000000e+00 : f32
      %div3A_130 = vector.broadcast %div3A : f32 to vector<16xf32>
      %div3A_131 = arith.divf %div3A_130, %add3A_129 : vector<16xf32>
      %swap3A = arith.index_cast %mul3A_120 : i32 to index
      %swap3A_132 = tpu.vector_load %arg12[%swap3A] {strides = array<i32>} : memref<512xf32, #tpu.memory_space<vmem>>, vector<16xf32>,
      tpu.vector_store %arg12[%swap3A], %div3A_131 {strides = array<i32>} : memref<512xf32, #tpu.memory_space<vmem>>, vector<16xf32>,
      %mul3A_133 = arith.constant 4 : i32
      %mul3A_134 = arith.muli %scan3A_114, %mul3A_133 : i32
      %add3A_135 = arith.constant 1 : i32
      %add3A_136 = arith.addi %mul3A_134, %add3A_135 : i32
      %mul3A_137 = arith.constant 16 : i32
      %mul3A_138 = arith.muli %add3A_136, %mul3A_137 : i32
      %get3A_139 = arith.index_cast %mul3A_138 : i32 to index
      %get3A_140 = tpu.vector_load %arg12[%get3A_139] {strides = array<i32>} : memref<512xf32, #tpu.memory_space<vmem>>, vector<16xf32>,
      %get3A_141 = arith.index_cast %mul3A_138 : i32 to index
      %get3A_142 = tpu.vector_load %arg11[%get3A_141] {strides = array<i32>} : memref<512xf32, #tpu.memory_space<vmem>>, vector<16xf32>,
      %add3A_143 = arith.addf %get3A_140, %get3A_142 : vector<16xf32>
      %neg3A_144 = arith.constant 0.000000e+00 : f32
      %neg3A_145 = vector.broadcast %neg3A_144 : f32 to vector<16xf32>
      %neg3A_146 = arith.subf %neg3A_145, %add3A_143 : vector<16xf32>
      %exp3A_147 = math.exp %neg3A_146 : vector<16xf32>
      %add3A_148 = arith.constant 1.000000e+00 : f32
      %add3A_149 = vector.broadcast %add3A_148 : f32 to vector<16xf32>
      %add3A_150 = arith.addf %add3A_149, %exp3A_147 : vector<16xf32>
      %div3A_151 = arith.constant 1.000000e+00 : f32
      %div3A_152 = vector.broadcast %div3A_151 : f32 to vector<16xf32>
      %div3A_153 = arith.divf %div3A_152, %add3A_150 : vector<16xf32>
      %swap3A_154 = arith.index_cast %mul3A_138 : i32 to index
      %swap3A_155 = tpu.vector_load %arg12[%swap3A_154] {strides = array<i32>} : memref<512xf32, #tpu.memory_space<vmem>>, vector<16xf32>,
      tpu.vector_store %arg12[%swap3A_154], %div3A_153 {strides = array<i32>} : memref<512xf32, #tpu.memory_space<vmem>>, vector<16xf32>,
      %mul3A_156 = arith.constant 4 : i32
      %mul3A_157 = arith.muli %scan3A_114, %mul3A_156 : i32
      %add3A_158 = arith.constant 2 : i32
      %add3A_159 = arith.addi %mul3A_157, %add3A_158 : i32
      %mul3A_160 = arith.constant 16 : i32
      %mul3A_161 = arith.muli %add3A_159, %mul3A_160 : i32
      %get3A_162 = arith.index_cast %mul3A_161 : i32 to index
      %get3A_163 = tpu.vector_load %arg12[%get3A_162] {strides = array<i32>} : memref<512xf32, #tpu.memory_space<vmem>>, vector<16xf32>,
      %get3A_164 = arith.index_cast %mul3A_161 : i32 to index
      %get3A_165 = tpu.vector_load %arg11[%get3A_164] {strides = array<i32>} : memref<512xf32, #tpu.memory_space<vmem>>, vector<16xf32>,
      %add3A_166 = arith.addf %get3A_163, %get3A_165 : vector<16xf32>
      %neg3A_167 = arith.constant 0.000000e+00 : f32
      %neg3A_168 = vector.broadcast %neg3A_167 : f32 to vector<16xf32>
      %neg3A_169 = arith.subf %neg3A_168, %add3A_166 : vector<16xf32>
      %exp3A_170 = math.exp %neg3A_169 : vector<16xf32>
      %add3A_171 = arith.constant 1.000000e+00 : f32
      %add3A_172 = vector.broadcast %add3A_171 : f32 to vector<16xf32>
      %add3A_173 = arith.addf %add3A_172, %exp3A_170 : vector<16xf32>
      %div3A_174 = arith.constant 1.000000e+00 : f32
      %div3A_175 = vector.broadcast %div3A_174 : f32 to vector<16xf32>
      %div3A_176 = arith.divf %div3A_175, %add3A_173 : vector<16xf32>
      %swap3A_177 = arith.index_cast %mul3A_161 : i32 to index
      %swap3A_178 = tpu.vector_load %arg12[%swap3A_177] {strides = array<i32>} : memref<512xf32, #tpu.memory_space<vmem>>, vector<16xf32>,
      tpu.vector_store %arg12[%swap3A_177], %div3A_176 {strides = array<i32>} : memref<512xf32, #tpu.memory_space<vmem>>, vector<16xf32>,
      %mul3A_179 = arith.constant 4 : i32
      %mul3A_180 = arith.muli %scan3A_114, %mul3A_179 : i32
      %add3A_181 = arith.constant 3 : i32
      %add3A_182 = arith.addi %mul3A_180, %add3A_181 : i32
      %mul3A_183 = arith.constant 16 : i32
      %mul3A_184 = arith.muli %add3A_182, %mul3A_183 : i32
      %get3A_185 = arith.index_cast %mul3A_184 : i32 to index
      %get3A_186 = tpu.vector_load %arg12[%get3A_185] {strides = array<i32>} : memref<512xf32, #tpu.memory_space<vmem>>, vector<16xf32>,
      %get3A_187 = arith.index_cast %mul3A_184 : i32 to index
      %get3A_188 = tpu.vector_load %arg11[%get3A_187] {strides = array<i32>} : memref<512xf32, #tpu.memory_space<vmem>>, vector<16xf32>,
      %add3A_189 = arith.addf %get3A_186, %get3A_188 : vector<16xf32>
      %neg3A_190 = arith.constant 0.000000e+00 : f32
      %neg3A_191 = vector.broadcast %neg3A_190 : f32 to vector<16xf32>
      %neg3A_192 = arith.subf %neg3A_191, %add3A_189 : vector<16xf32>
      %exp3A_193 = math.exp %neg3A_192 : vector<16xf32>
      %add3A_194 = arith.constant 1.000000e+00 : f32
      %add3A_195 = vector.broadcast %add3A_194 : f32 to vector<16xf32>
      %add3A_196 = arith.addf %add3A_195, %exp3A_193 : vector<16xf32>
      %div3A_197 = arith.constant 1.000000e+00 : f32
      %div3A_198 = vector.broadcast %div3A_197 : f32 to vector<16xf32>
      %div3A_199 = arith.divf %div3A_198, %add3A_196 : vector<16xf32>
      %swap3A_200 = arith.index_cast %mul3A_184 : i32 to index
      %swap3A_201 = tpu.vector_load %arg12[%swap3A_200] {strides = array<i32>} : memref<512xf32, #tpu.memory_space<vmem>>, vector<16xf32>,
      tpu.vector_store %arg12[%swap3A_200], %div3A_199 {strides = array<i32>} : memref<512xf32, #tpu.memory_space<vmem>>, vector<16xf32>,
    }
    %scan3A_111 = arith.constant 8 : i32
    %mul3A_112 = arith.constant 512 : i32
    %mul3A_113 = arith.muli %add3A, %mul3A_112 : i32
    "tpu.region"() ({
      %run_scoped3A = tpu.sem_alloc : memref<!tpu.dma_semaphore, #tpu.memory_space<semaphore_mem>>
      %dma_start3A_114 = tpu.memref_slice %arg6[%mul3A_113] : memref<16384xf32, #tpu.memory_space<hbm>> -> memref<512xf32, #tpu.memory_space<hbm>>
      %dma_start3A_115 = tpu.memref_slice %arg6[%mul3A_113] : memref<16384xf32, #tpu.memory_space<hbm>> -> memref<512xf32, #tpu.memory_space<hbm>>
      tpu.enqueue_dma source(%arg12 : memref<512xf32, #tpu.memory_space<vmem>>) target(%dma_start3A_115 : memref<512xf32, #tpu.memory_space<hbm>>) target_semaphore(%run_scoped3A : memref<!tpu.dma_semaphore, #tpu.memory_space<semaphore_mem>>)
      %dma_wait3A_116 = tpu.memref_slice %arg6[%mul3A_113] : memref<16384xf32, #tpu.memory_space<hbm>> -> memref<512xf32, #tpu.memory_space<hbm>>
      %dma_wait3A_117 = tpu.memref_slice %arg6[%mul3A_113] : memref<16384xf32, #tpu.memory_space<hbm>> -> memref<512xf32, #tpu.memory_space<hbm>>
      tpu.wait_dma2 semaphore(%run_scoped3A : memref<!tpu.dma_semaphore, #tpu.memory_space<semaphore_mem>>) src(%arg12 : memref<512xf32, #tpu.memory_space<vmem>>) dst(%dma_wait3A_117 : memref<512xf32, #tpu.memory_space<hbm>>)
      tpu.yield
    }) : () -> ()
    return
  }
}

</mosaic_0001>

<sc_bundles>
// kernel: kernel.3.cloned.1.call-start
scs
__scs_entry_jumppad:
0x0: {  	(pc) =	sbr.rel $0x88, $3  }
0x1: {  	(tag) =	ssettag $0x0;
	lr =	simm.s32 $0x1  }
0x2: {  	[smem:$0x3F9D] =	sst lr;
	_ =	strace $0xD0000000  }
0x3: {  	_ = 	snop  }
0x4: {  	_ = 	snop  }
0x5: {  	_ = 	snop  }
0x6: {  	_ = 	snop  }
0x7: {  	_ = 	snop  }
__scs_overlays_trampoline_lowered:
0x8: {  	[smem:$0x3FAC] =	sst s0  }
0x9: {  	[smem:$0x3FAD] =	sst s1  }
0xa: {  	[smem:$0x3FAE] =	sst s2  }
0xb: {  	[smem:$0x3FAF] =	sst s3  }
0xc: {  	[smem:$0x3FB0] =	sst s4  }
0xd: {  	[smem:$0x3FB1] =	sst s5  }
0xe: {  	[smem:$0x3FB2] =	sst s6  }
0xf: {  	[smem:$0x3FB3] =	sst s7  }
0x10: {  	[smem:$0x3FB4] =	sst s8  }
0x11: {  	[smem:$0x3FB5] =	sst s9;
	s0 =	simm.s32 @!p0 $0x0  }
0x12: {  	s1 =	sld [smem:$0x3F9B];
	s0 =	simm.s32 @p0 $0x1  }
0x13: {  	[smem:$0x3FB6] =	sst s0;
	s0 =	simm.s32 @!p1 $0x0  }
0x14: {  	s2 =	sld [smem:$0x3F9A];
	s0 =	simm.s32 @p1 $0x1  }
0x15: {  	[smem:$0x3FB7] =	sst s0;
	s0 =	simm.s32 @!p2 $0x0  }
0x16: {  	s3 =	sld [smem:$0x3FDB];
	s0 =	simm.s32 @p2 $0x1  }
0x17: {  	s4 =	simm.s32 $0x1BF5;
	[smem:$0x3FB9] =	sst s0  }
0x18: {  	s0 =	sld [smem:$0x3F9C];
	_ =	swait.ge [sflag:s4], $0x0  }
0x19: {  	s7 =	sld [smem:$0x3F9D]  }
0x1a: {  	s8 =	sadd.s32 $0xFFFFE003, lr  }
0x1b: {  	s9 =	sadd.s32 $0xFFFFFEF7, lr;
	s5 =	simm.s32 $0xFFFFFFFF;
	p2 =	slt.u32 s8, $0xFFFFF086  }
0x1c: {  	p1 =	slt.u32 s9, $0xF7A;
	s5 =	simm.s32 @!p2 $0x0  }
0x1d: {  	s5 =	simm.s32 @p1 $0x1;
	p0 =	seq.s32 s7, s2  }
0x1e: {  	s7 =	smul.u32 @!p0 $0xF7A, s2;
	p2 =	seq.s32 @!p0 s5, $0x0  }
0x1f: {  	s9 =	smul.u32 $0xF7A, s1;
	s8 =	simm.s32 @!p0 $0x1BF5;
	p2 =	por !p2, p0  }
0x20: {  	[sflag:s8] =	ssyncset.s32 @!p0 $0xFFFFF086;
	s6 =	sadd.s32 @!p0 s3, s7;
	s7 =	simm.s32 @!p0 $0x108  }
0x21: {  	s3 =	sadd.s32 s3, s9;
	s6 =	sadd.s32 @!p0 $0x88, s6;
	s7 =	simm.s32 @p2 $0x1082  }
0x22: {  	[simem:s7], [sflag:s8] =	dma.local @!p0 [hbm:s6], $0xF7A  }
0x23: {  	s9 =	sor.u32 $0xD0000000, s2;
	s6 =	simm.s32 $0x108;
	_ =	swait.ge @!p0 [sflag:s8], $0x0  }
0x24: {  	s3 =	sadd.s32 $0x88, s3;
	s6 =	simm.s32 @!p1 $0x1082;
	[sflag:s4] =	ssyncset.s32 $0xFFFFF086  }
0x25: {  	[simem:s6], [sflag:s4] =	dma.local [hbm:s3], $0xF7A  }
0x26: {  	[smem:$0x3F9D] =	sst s1;
	(tag) =	ssettag s2;
	_ =	strace s9  }
0x27: {  	s1 =	sld [smem:$0x3FAD]  }
0x28: {  	s2 =	sld [smem:$0x3FAE]  }
0x29: {  	s4 =	sld [smem:$0x3FB0]  }
0x2a: {  	p0 =	seq.s32 s5, $0x0;
	s5 =	sld [smem:$0x3FB1]  }
0x2b: {  	s6 =	sld [smem:$0x3FB2]  }
0x2c: {  	s7 =	sld [smem:$0x3FB3]  }
0x2d: {  	s3 =	simm.s32 $0x108;
	s8 =	sld [smem:$0x3FB4]  }
0x2e: {  	s3 =	simm.s32 @!p0 $0x1082;
	s9 =	sld [smem:$0x3FB5]  }
0x2f: {  	lr =	sadd.s32 s0, s3;
	s0 =	sld [smem:$0x3FAC]  }
0x30: {  	s3 =	sld [smem:$0x3FAF]  }
0x31: {  	[smem:$0x3FB8] =	sst s10  }
0x32: {  	s10 =	sld [smem:$0x3FB6];
	_ =	sdelay $0x3  }
0x33: {  	p0 =	seq.s32 s10, $0x1;
	s10 =	sld [smem:$0x3FB8];
	_ =	sdelay $0x3  }
0x34: {  	[smem:$0x3FB8] =	sst s10  }
0x35: {  	s10 =	sld [smem:$0x3FB7];
	_ =	sdelay $0x3  }
0x36: {  	p1 =	seq.s32 s10, $0x1;
	s10 =	sld [smem:$0x3FB8];
	_ =	sdelay $0x3  }
0x37: {  	[smem:$0x3FB8] =	sst s10  }
0x38: {  	s10 =	sld [smem:$0x3FB9]  }
0x39: {  	_ = 	snop;
	(pc) =	sbr.ind lr, $3  }
0x3a: {  	_ = 	snop  }
0x3b: {  	_ = 	snop  }
0x3c: {  	p2 =	seq.s32 s10, $0x1;
	s10 =	sld [smem:$0x3FB8]  }
0x3d: {  	_ =	shalt  }
0x3e: {  	_ =	shalt  }
0x3f: {  	_ =	shalt  }
0x40: {  	_ =	shalt  }
0x41: {  	_ =	shalt  }
0x42: {  	_ =	shalt  }
0x43: {  	_ =	shalt  }
0x44: {  	_ =	shalt  }
0x45: {  	_ =	shalt  }
0x46: {  	_ =	shalt  }
0x47: {  	_ =	shalt  }
0x48: {  	_ =	shalt  }
0x49: {  	_ =	shalt  }
0x4a: {  	_ =	shalt  }
0x4b: {  	_ =	shalt  }
0x4c: {  	_ =	shalt  }
0x4d: {  	_ =	shalt  }
0x4e: {  	_ =	shalt  }
0x4f: {  	_ =	shalt  }
0x50: {  	_ =	shalt  }
0x51: {  	_ =	shalt  }
0x52: {  	_ =	shalt  }
0x53: {  	_ =	shalt  }
0x54: {  	_ =	shalt  }
0x55: {  	_ =	shalt  }
0x56: {  	_ =	shalt  }
0x57: {  	_ =	shalt  }
0x58: {  	_ =	shalt  }
0x59: {  	_ =	shalt  }
0x5a: {  	_ =	shalt  }
0x5b: {  	_ =	shalt  }
0x5c: {  	_ =	shalt  }
0x5d: {  	_ =	shalt  }
0x5e: {  	_ =	shalt  }
0x5f: {  	_ =	shalt  }
0x60: {  	_ =	shalt  }
0x61: {  	_ =	shalt  }
0x62: {  	_ =	shalt  }
0x63: {  	_ =	shalt  }
0x64: {  	_ =	shalt  }
0x65: {  	_ =	shalt  }
0x66: {  	_ =	shalt  }
0x67: {  	_ =	shalt  }
0x68: {  	_ =	shalt  }
0x69: {  	_ =	shalt  }
0x6a: {  	_ =	shalt  }
0x6b: {  	_ =	shalt  }
0x6c: {  	_ =	shalt  }
0x6d: {  	_ =	shalt  }
0x6e: {  	_ =	shalt  }
0x6f: {  	_ =	shalt  }
0x70: {  	_ =	shalt  }
0x71: {  	_ =	shalt  }
0x72: {  	_ =	shalt  }
0x73: {  	_ =	shalt  }
0x74: {  	_ =	shalt  }
0x75: {  	_ =	shalt  }
0x76: {  	_ =	shalt  }
0x77: {  	_ =	shalt  }
0x78: {  	_ =	shalt  }
0x79: {  	_ =	shalt  }
0x7a: {  	_ =	shalt  }
0x7b: {  	_ =	shalt  }
0x7c: {  	_ =	shalt  }
0x7d: {  	_ =	shalt  }
0x7e: {  	_ =	shalt  }
0x7f: {  	_ =	shalt  }
0x80: {  	_ =	shalt  }
0x81: {  	_ =	shalt  }
0x82: {  	_ =	shalt  }
0x83: {  	_ =	shalt  }
0x84: {  	_ =	shalt  }
0x85: {  	_ =	shalt  }
0x86: {  	_ =	shalt  }
0x87: {  	_ =	shalt  }
.Lfunc_end0:
.L_simem_size_0:
called_computation_lowered:
.L_overlay_start_0:
0x88: {  	s2 =	sld [smem:$0x3FD9]  }
0x89: {  	s3 =	sld [smem:$0x3FFE];
	_ =	sdelay $0x1  }
0x8a: {  	s1 =	srdreg.scid  }
0x8b: {  	s0 =	sand.u32 $0x1, s1  }
0x8c: {  	s18 =	sshll.u32 s0, $0xA;
	s2 =	sadd.s32 s3, s2  }
0x8d: {  	s2 =	sadd.s32 s2, s18  }
0x8e: {  	[smem:$0x3FC4] =	sst s2  }
0x8f: {  	_ = 	snop  }
0x90: {  	s2 =	sld [smem:$0x3FC9]  }
0x91: {  	s19 =	sld [smem:$0x3FC8]  }
0x92: {  	s4 =	sld [smem:$0x3FC7]  }
0x93: {  	s5 =	sld [smem:$0x3FC6]  }
0x94: {  	s6 =	sld [smem:$0x3FD0];
	(tm) =	ssettm $0x1  }
0x95: {  	s7 =	sld [smem:$0x3FFB];
	_ =	sdelay $0x3  }
0x96: {  	_ =	strace s7  }
0x97: {  	s7 =	sld [smem:$0x3FFC];
	_ =	sdelay $0x3  }
0x98: {  	_ =	strace s7  }
0x99: {  	s7 =	sld [smem:$0x3FFD];
	_ =	sdelay $0x3  }
0x9a: {  	_ =	strace s7  }
0x9b: {  	_ =	strace $0x8FFFFFFF  }
0x9c: {  	s20 =	sld [smem:$0x3FDB];
	_ =	sdelay $0x1  }
0x9d: {  	s8 =	simm.s32 $_scs_section_size  }
0x9e: {  	s9 =	simm.s32 $_size__tile_overlayer_lowered;
	s10 =	simm.s32 $_tile_overlayer_lowered  }
0x9f: {  	s23 =	simm.s32 $0x1BFF;
	s22 =	sshll.u32 s10, $0x1;
	s7 =	sadd.s32 s8, s20  }
0xa0: {  	s11 =	simm.s32 $0x0;
	s21 =	sshll.u32 s9, $0x1;
	s9 =	sadd.s32 s22, s7  }
0xa1: {  	[timem:s11], [sflag:s23] =	dma.local [hbm:s9], s21  }
0xa2: {  	_ =	swait.ge [sflag:s23], s21  }
0xa3: {  	s8 =	ssub.s32 $0x0, s21;
	[sflag:s23] =	ssyncset.done $0x0  }
0xa4: {  	[sflag:s23] =	ssyncadd.s32 s8;
	_ =	sdelay $0x1  }
0xa5: {  	s24 =	simm.s32 $0x1B8B  }
0xa6: {  	_ =	swait.ge [sflag:s24], $0x1  }
0xa7: {  	[sflag:s24] =	ssyncset.done $0x0  }
0xa8: {  	s25 =	simm.s32 $0x1B8E;
	[sflag:s24] =	ssyncadd.s32 $0xFFFFFFFF  }
0xa9: {  	s26 =	simm.s32 $execute0_lowered;
	[smem:$0x3FD2] =	sst s25  }
0xaa: {  	s8 =	sshll.u32 s26, $0x1;
	_ =	strace $0x80000046;
	[dreg:$0x1] =	wrdreg $0xFFFFFFFF  }
0xab: {  	s28 =	simm.s32 $_size_execute0_lowered;
	s7 =	sadd.s32 s7, s8;
	[dreg:$0x0] =	wrdreg $0x0  }
0xac: {  	s8 =	sshll.u32 s28, $0x1;
	[dreg:$0x2] =	wrdreg s7  }
0xad: {  	[dreg:$0x3] =	wrdreg s8  }
0xae: {  	[dreg:$0x4] =	wrdreg $0xC0  }
0xaf: {  	_ =	task [dreg:s11], $0x5FFFF  }
0xb0: {  	[dreg:$0x1] =	wrdreg $0xFFFFFFFF  }
0xb1: {  	[dreg:$0x0] =	wrdreg $0x60  }
0xb2: {  	[dreg:$0x2] =	wrdreg s2  }
0xb3: {  	[dreg:$0x3] =	wrdreg s19  }
0xb4: {  	[dreg:$0x4] =	wrdreg s4  }
0xb5: {  	[dreg:$0x5] =	wrdreg s5  }
0xb6: {  	[dreg:$0x6] =	wrdreg s6  }
0xb7: {  	[dreg:$0x7] =	wrdreg $0x9  }
0xb8: {  	_ =	task.clear_ibuf [dreg:s11], $0x8FFFF;
	_ =	strace $0x90000046  }
0xb9: {  	s29 =	simm.s32 $0x9;
	_ =	strace $0x80000048  }
0xba: {  	_ =	swait.ge [sflag:s29], $0x1  }
0xbb: {  	[sflag:s29] =	ssyncadd.s32 $0xFFFFFFFF  }
0xbc: {  	_ =	strace $0x90000048  }
0xbd: {  	_ =	sfence  }
0xbe: {  	s30 =	sld [smem:$0x0];
	_ =	sdelay $0x2  }
0xbf: {  	s31 =	sshll.u32 s1, $0xD;
	s1 =	sshrl.u32 s1, $0x2  }
0xc0: {  	s3 =	sand.u32 $0x4000, s31;
	s1 =	sadd.s32 s1, s30  }
0xc1: {  	s0 =	sor.u32 s3, s0;
	s1 =	sshll.u32 s1, $0x11  }
0xc2: {  	s0 =	sor.u32 s1, s0  }
0xc3: {  	s0 =	sadd.s32 $0x8F2B, s0  }
0xc4: {  	[sflag:s0] =	ssyncadd.remote.s32 $0x1  }
0xc5: {  	_ =	sfence.sel $0xFFFF  }
0xc6: {  	[dreg:$0x0] =	wrdreg $0xFFFFFFFF;
	(pc) =	sbr.abs _section_cstart, $3  }
0xc7: {  	[dreg:$0x1] =	wrdreg $0xFFFFFFFF  }
0xc8: {  	_ =	task.clear_ibuf [dreg:s11], $0x2FFFF;
	_ =	strace $0x9FFFFFFF  }
0xc9: {  	(tm) =	ssettm $0x7FFFFFFF  }
tec
execute0_lowered:
.L_overlay_start_1:
0x0: {  	(tag) =	ssettag $0x1  }
0x1: {  	s5 =	rddreg [dreg:$0x0]  }
0x2: {  	s6 =	rddreg [dreg:$0x1]  }
0x3: {  	s1 =	rddreg [dreg:$0x2]  }
0x4: {  	s2 =	rddreg [dreg:$0x3]  }
0x5: {  	s7 =	rddreg [dreg:$0x4];
	s8 =	srdreg.scid  }
0x6: {  	s4 =	simm.s32 $0x0;
	s0 =	stileid.u32;
	s12 =	simm.s32 $0x80  }
0x7: {  	s13 =	simm.s32 $0x10400;
	s14 =	simm.s32 $0x280;
	s15 =	simm.s32 $0x10480  }
0x8: {  	s16 =	simm.s32 $0x300;
	s17 =	simm.s32 $0x10500;
	s18 =	simm.s32 $0x380  }
0x9: {  	v0 =	vlaneseq.u32;
	s19 =	simm.s32 $0x10580;
	s20 =	simm.s32 $0x400;
	s21 =	simm.s32 $0x8400  }
0xa: {  	s22 =	simm.s32 $0x10800;
	s23 =	simm.s32 $0x3;
	s24 =	simm.s32 $0x10600;
	v2 =	vmul.u32 $0x80, v0  }
0xb: {  	s25 =	simm.s32 $0x4;
	s26 =	simm.s32 $0x0;
	s8 =	sand.u32 $0x1, s8  }
0xc: {  	s10 =	sshll.u32 s0, $0x6;
	[smem:$0x7FF] =	sst s4;
	s9 =	ssub.s32 $0x2, s8;
	v3 =	vor.u32 $0x1, v2;
	v4 =	vor.u32 $0x2, v2;
	v5 =	vor.u32 $0x3, v2  }
0xd: {  	s8 =	sshll.u32 s8, $0xA;
	_ =	strace $0x80000047;
	s11 =	sshrl.u32 s9, $0x1;
	v6 =	vor.u32 $0x4, v2;
	v7 =	vor.u32 $0x5, v2;
	v8 =	vor.u32 $0x6, v2  }
0xe: {  	s8 =	sor.u32 s10, s8;
	s10 =	simm.s32 $0x1;
	v9 =	vor.u32 $0x7, v2;
	v10 =	vor.u32 $0x8, v2;
	v11 =	vor.u32 $0x9, v2;
	s9 =	ssub.s32 s9, s11  }
0xf: {  	v12 =	vor.u32 $0xA, v2;
	v13 =	vor.u32 $0xB, v2;
	v33 =	vor.u32 $0xF, v2;
	s5 =	sadd.s32 s5, s8;
	s6 =	sadd.s32 s6, s8;
	s7 =	sadd.s32 s7, s8  }
0x10: {  	v14 =	vor.u32 $0xC, v2;
	v15 =	vor.u32 $0xD, v2;
	v32 =	vor.u32 $0xE, v2;
	s11 =	simm.s32 $0x2;
	[tilespmem:$0x1FFF0] =	vst v33;
	s8 =	smax.u32 s9, $0x1;
	s9 =	simm.s32 $0x200  }
.LBB2_1:
0x11: {  	[tilespmem:s4], [sflag:$0x1] =	stream.linear.gather [hbm4b:s5+s4], $0x200, $0x38;
	[tilespmem:$0x11000] =	vst v63  }
0x12: {  	_ = 	snop  }
0x13: {  	[tilespmem:s9], [sflag:$0x2] =	stream.linear.gather [hbm4b:s6+s4], $0x200, $0x38;
	[tilespmem:$0x11000] =	vst v63  }
0x14: {  	_ =	swait.ge [sflag:s10], $0x200  }
0x15: {  	[sflag:s10] =	ssyncset.done $0x0  }
0x16: {  	[sflag:s10] =	ssyncadd.s32 $0xFFFFFE00  }
0x17: {  	_ =	swait.ge [sflag:s11], $0x200  }
0x18: {  	[sflag:s11] =	ssyncset.done $0x0  }
0x19: {  	[sflag:s11] =	ssyncadd.s32 $0xFFFFFE00  }
0x1a: {  	[tilespmem:s13], [sflag:$0x3] =	stream.indirect.gather [hbm4b:s2+s12], $0x1, s9, s12, $0xb8;
	[tilespmem:$0x11000] =	vst v63  }
0x1b: {  	_ = 	snop  }
0x1c: {  	[tilespmem:s15], [sflag:$0x3] =	stream.indirect.gather [hbm4b:s2+s12], $0x1, s14, s12, $0xb8;
	[tilespmem:$0x11000] =	vst v63  }
0x1d: {  	_ = 	snop  }
0x1e: {  	[tilespmem:s17], [sflag:$0x3] =	stream.indirect.gather [hbm4b:s2+s12], $0x1, s16, s12, $0xb8;
	[tilespmem:$0x11000] =	vst v63  }
0x1f: {  	_ = 	snop  }
0x20: {  	[tilespmem:s19], [sflag:$0x3] =	stream.indirect.gather [hbm4b:s2+s12], $0x1, s18, s12, $0xb8;
	[tilespmem:$0x11000] =	vst v63  }
0x21: {  	_ = 	snop  }
0x22: {  	[tilespmem:s20], [sflag:$0x1] =	stream.indirect.gather [hbm4b:s1+s12], $0x80, s4, s12, $0xb8;
	[tilespmem:$0x11000] =	vst v63  }
0x23: {  	s28 =	simm.s32 $0x0  }
0x24: {  	[tilespmem:s21], [sflag:$0x1] =	stream.indirect.gather [hbm4b:s1+s12], $0x80, s9, s12, $0xb8;
	[tilespmem:$0x11000] =	vst v63  }
.LBB2_3:
0x25: {  	s29 =	smov.u32 s28;
	s30 =	sand.u32 $0x1, s28  }
0x26: {  	s28 =	sadd.s32 $0x1, s28;
	p0 =	seq.s32 s30, $0x1;
	p1 =	seq.s32 s29, $0x3  }
0x27: {  	s31 =	sshll.u32 @!p0 s28, $0x7;
	s0 =	simm.s32 @!p0 $0x80;
	s3 =	simm.s32 @!p0 $0x4400  }
0x28: {  	[tilespmem:s3], [sflag:$0x2] =	stream.indirect.gather @!p0 [hbm4b:s1+s0], $0x80, s31, s0, $0xb8;
	[tilespmem:$0x11000] =	vst v63  }
0x29: {  	p1 =	por !p0, p1;
	s3 =	sadd.s32 @!p0 $0x200, s31;
	s31 =	simm.s32 @!p0 $0xC400  }
0x2a: {  	[tilespmem:s31], [sflag:$0x2] =	stream.indirect.gather @!p0 [hbm4b:s1+s0], $0x80, s3, s0, $0xb8;
	[tilespmem:$0x11000] =	vst v63  }
0x2b: {  	s0 =	sshll.u32 @!p1 s28, $0x7;
	s3 =	simm.s32 @!p1 $0x80;
	s31 =	simm.s32 @!p1 $0x400  }
0x2c: {  	[tilespmem:s31], [sflag:$0x1] =	stream.indirect.gather @!p1 [hbm4b:s1+s3], $0x80, s0, s3, $0xb8;
	[tilespmem:$0x11000] =	vst v63  }
0x2d: {  	s0 =	sadd.s32 @!p1 $0x200, s0;
	s31 =	simm.s32 @!p1 $0x8400  }
0x2e: {  	[tilespmem:s31], [sflag:$0x1] =	stream.indirect.gather @!p1 [hbm4b:s1+s3], $0x80, s0, s3, $0xb8;
	[tilespmem:$0x11000] =	vst v63  }
0x2f: {  	p1 =	sne.s32 s30, $0x0  }
0x30: {  	s0 =	simm.s32 @!p1 $0x1  }
0x31: {  	_ =	swait.ge @!p1 [sflag:s0], $0x4000  }
0x32: {  	[sflag:s0] =	ssyncset.done @!p1 $0x0  }
0x33: {  	[sflag:s0] =	ssyncadd.s32 @!p1 $0xFFFFC000  }
0x34: {  	_ =	swait.ge @!p1 [sflag:s0], $0x4000  }
0x35: {  	[sflag:s0] =	ssyncset.done @!p1 $0x0  }
0x36: {  	[sflag:s0] =	ssyncadd.s32 @!p1 $0xFFFFC000;
	s0 =	simm.s32 @p0 $0x2  }
0x37: {  	_ =	swait.ge @p0 [sflag:s0], $0x4000  }
0x38: {  	s31 =	sshll.u32 s29, $0x7;
	s30 =	sshll.u32 s30, $0xE;
	[sflag:s0] =	ssyncset.done @p0 $0x0  }
0x39: {  	s3 =	sand.u32 $0x3FFFFF80, s31;
	v16 =	vmov s30;
	[sflag:s0] =	ssyncadd.s32 @p0 $0xFFFFC000  }
0x3a: {  	s3 =	sadd.s32 $0x10600, s3;
	_ =	swait.ge @p0 [sflag:s0], $0x4000  }
0x3b: {  	v0 =	vmov s3;
	[sflag:s0] =	ssyncset.done @p0 $0x0  }
0x3c: {  	s29 =	simm.s32 $0x0;
	[tilespmem:$0x1FFE0] =	vst v0;
	[sflag:s0] =	ssyncadd.s32 @p0 $0xFFFFC000  }
.LBB2_4:
0x3d: {  	s30 =	sshll.u32 s29, $0xB  }
0x3e: {  	v18 =	vld.idx.msk [tilespmem:v16+s30+$0x400 ss:$0x1], $0xffff  }
0x3f: {  	v19 =	vld.idx.msk [tilespmem:v16+s30+$0x8400 ss:$0x1], $0xffff  }
0x40: {  	v20 =	vld.idx.msk [tilespmem:v16+s30+$0x480 ss:$0x1], $0xffff  }
0x41: {  	v21 =	vld.idx.msk [tilespmem:v16+s30+$0x8480 ss:$0x1], $0xffff  }
0x42: {  	v22 =	vld.idx.msk [tilespmem:v16+s30+$0x500 ss:$0x1], $0xffff  }
0x43: {  	v23 =	vld.idx.msk [tilespmem:v16+s30+$0x8500 ss:$0x1], $0xffff  }
0x44: {  	v24 =	vld.idx.msk [tilespmem:v16+s30+$0x580 ss:$0x1], $0xffff  }
0x45: {  	v25 =	vld.idx.msk [tilespmem:v16+s30+$0x8580 ss:$0x1], $0xffff  }
0x46: {  	v26 =	vld.idx.msk [tilespmem:v16+s30+$0x410 ss:$0x1], $0xffff  }
0x47: {  	v27 =	vld.idx.msk [tilespmem:v16+s30+$0x8410 ss:$0x1], $0xffff  }
0x48: {  	v28 =	vld.idx.msk [tilespmem:v16+s30+$0x490 ss:$0x1], $0xffff  }
0x49: {  	v29 =	vld.idx.msk [tilespmem:v16+s30+$0x8490 ss:$0x1], $0xffff  }
0x4a: {  	v30 =	vld.idx.msk [tilespmem:v16+s30+$0x510 ss:$0x1], $0xffff  }
0x4b: {  	v31 =	vld.idx.msk [tilespmem:v16+s30+$0x8510 ss:$0x1], $0xffff  }
0x4c: {  	v17 =	vmov v32;
	v32 =	vld.idx.msk [tilespmem:v16+s30+$0x590 ss:$0x1], $0xffff  }
0x4d: {  	v33 =	vld.idx.msk [tilespmem:v16+s30+$0x8590 ss:$0x1], $0xffff  }
0x4e: {  	v34 =	vld.idx.msk [tilespmem:v16+s30+$0x420 ss:$0x1], $0xffff  }
0x4f: {  	v35 =	vld.idx.msk [tilespmem:v16+s30+$0x8420 ss:$0x1], $0xffff  }
0x50: {  	v36 =	vld.idx.msk [tilespmem:v16+s30+$0x4A0 ss:$0x1], $0xffff  }
0x51: {  	v37 =	vld.idx.msk [tilespmem:v16+s30+$0x84A0 ss:$0x1], $0xffff  }
0x52: {  	v38 =	vld.idx.msk [tilespmem:v16+s30+$0x520 ss:$0x1], $0xffff  }
0x53: {  	v39 =	vld.idx.msk [tilespmem:v16+s30+$0x8520 ss:$0x1], $0xffff  }
0x54: {  	v40 =	vld.idx.msk [tilespmem:v16+s30+$0x5A0 ss:$0x1], $0xffff  }
0x55: {  	v41 =	vld.idx.msk [tilespmem:v16+s30+$0x85A0 ss:$0x1], $0xffff  }
0x56: {  	v42 =	vld.idx.msk [tilespmem:v16+s30+$0x430 ss:$0x1], $0xffff  }
0x57: {  	v43 =	vld.idx.msk [tilespmem:v16+s30+$0x8430 ss:$0x1], $0xffff  }
0x58: {  	v44 =	vld.idx.msk [tilespmem:v16+s30+$0x4B0 ss:$0x1], $0xffff  }
0x59: {  	v45 =	vld.idx.msk [tilespmem:v16+s30+$0x84B0 ss:$0x1], $0xffff  }
0x5a: {  	v46 =	vld.idx.msk [tilespmem:v16+s30+$0x530 ss:$0x1], $0xffff  }
0x5b: {  	v47 =	vld.idx.msk [tilespmem:v16+s30+$0x8530 ss:$0x1], $0xffff  }
0x5c: {  	v48 =	vld.idx.msk [tilespmem:v16+s30+$0x5B0 ss:$0x1], $0xffff  }
0x5d: {  	v49 =	vld.idx.msk [tilespmem:v16+s30+$0x85B0 ss:$0x1], $0xffff  }
0x5e: {  	v50 =	vld.idx.msk [tilespmem:v16+s30+$0x440 ss:$0x1], $0xffff  }
0x5f: {  	v51 =	vld.idx.msk [tilespmem:v16+s30+$0x8440 ss:$0x1], $0xffff  }
0x60: {  	v52 =	vld.idx.msk [tilespmem:v16+s30+$0x4C0 ss:$0x1], $0xffff  }
0x61: {  	v53 =	vld.idx.msk [tilespmem:v16+s30+$0x84C0 ss:$0x1], $0xffff  }
0x62: {  	v54 =	vld.idx.msk [tilespmem:v16+s30+$0x540 ss:$0x1], $0xffff  }
0x63: {  	v55 =	vld.idx.msk [tilespmem:v16+s30+$0x8540 ss:$0x1], $0xffff  }
0x64: {  	v56 =	vld.idx.msk [tilespmem:v16+s30+$0x5C0 ss:$0x1], $0xffff  }
0x65: {  	v57 =	vld.idx.msk [tilespmem:v16+s30+$0x85C0 ss:$0x1], $0xffff  }
0x66: {  	v58 =	vld.idx.msk [tilespmem:v16+s30+$0x450 ss:$0x1], $0xffff  }
0x67: {  	v59 =	vld.idx.msk [tilespmem:v16+s30+$0x8450 ss:$0x1], $0xffff  }
0x68: {  	v60 =	vld.idx.msk [tilespmem:v16+s30+$0x4D0 ss:$0x1], $0xffff  }
0x69: {  	v61 =	vld.idx.msk [tilespmem:v16+s30+$0x84D0 ss:$0x1], $0xffff  }
0x6a: {  	v62 =	vld.idx.msk [tilespmem:v16+s30+$0x550 ss:$0x1], $0xffff  }
0x6b: {  	v63 =	vld.idx.msk [tilespmem:v16+s30+$0x8550 ss:$0x1], $0xffff  }
0x6c: {  	v0 =	vld.idx.msk [tilespmem:v16+s30+$0x5D0 ss:$0x1], $0xffff  }
0x6d: {  	v1 =	vld.idx.msk [tilespmem:v16+s30+$0x85D0 ss:$0x1], $0xffff;
	v18 =	vmul.f32 v19, v18;
	v20 =	vmul.f32 v21, v20  }
0x6e: {  	v19 =	vld.idx.msk [tilespmem:v16+s30+$0x460 ss:$0x1], $0xffff;
	v21 =	vmul.f32 v23, v22;
	v23 =	vmul.f32 v27, v26  }
0x6f: {  	v22 =	vld.idx.msk [tilespmem:v16+s30+$0x8460 ss:$0x1], $0xffff;
	v26 =	vmul.f32 v29, v28;
	v24 =	vmul.f32 v25, v24  }
0x70: {  	v27 =	vld.idx.msk [tilespmem:v16+s30+$0x4E0 ss:$0x1], $0xffff;
	v25 =	vmul.f32 v31, v30;
	v33 =	vmul.f32 v33, v32  }
0x71: {  	v28 =	vld.idx.msk [tilespmem:v16+s30+$0x84E0 ss:$0x1], $0xffff;
	v37 =	vmul.f32 v37, v36;
	v38 =	vmul.f32 v39, v38  }
0x72: {  	v30 =	vld.idx.msk [tilespmem:v16+s30+$0x8560 ss:$0x1], $0xffff;
	v39 =	vmul.f32 v41, v40;
	v41 =	vmul.f32 v43, v42  }
0x73: {  	v40 =	vld.idx.msk [tilespmem:v16+s30+$0x5E0 ss:$0x1], $0xffff;
	v43 =	vmul.f32 v45, v44;
	v45 =	vmul.f32 v47, v46  }
0x74: {  	v42 =	vld.idx.msk [tilespmem:v16+s30+$0x85E0 ss:$0x1], $0xffff;
	v46 =	vmul.f32 v49, v48;
	v48 =	vmul.f32 v51, v50  }
0x75: {  	v44 =	vld.idx.msk [tilespmem:v16+s30+$0x470 ss:$0x1], $0xffff;
	v18 =	vadd.f32 v23, v18;
	v21 =	vadd.f32 v25, v21;
	v25 =	vmul.f32 v35, v34  }
0x76: {  	v47 =	vld.idx.msk [tilespmem:v16+s30+$0x8470 ss:$0x1], $0xffff;
	v49 =	vmul.f32 v53, v52;
	v51 =	vmul.f32 v55, v54;
	v20 =	vadd.f32 v26, v20  }
0x77: {  	v50 =	vld.idx.msk [tilespmem:v16+s30+$0x4F0 ss:$0x1], $0xffff;
	v53 =	vmul.f32 v57, v56;
	v23 =	vadd.f32 v33, v24;
	v18 =	vadd.f32 v25, v18  }
0x78: {  	v52 =	vld.idx.msk [tilespmem:v16+s30+$0x84F0 ss:$0x1], $0xffff;
	v55 =	vmul.f32 v59, v58;
	v56 =	vmul.f32 v61, v60;
	v20 =	vadd.f32 v37, v20  }
0x79: {  	v54 =	vld.idx.msk [tilespmem:v16+s30+$0x570 ss:$0x1], $0xffff;
	v58 =	vmul.f32 v63, v62;
	v23 =	vadd.f32 v39, v23;
	v18 =	vadd.f32 v41, v18  }
0x7a: {  	v0 =	vmul.f32 v1, v0;
	v1 =	vld.idx.msk [tilespmem:v16+s30+$0x5F0 ss:$0x1], $0xffff;
	v21 =	vadd.f32 v38, v21;
	v20 =	vadd.f32 v43, v20  }
0x7b: {  	v26 =	vld.idx.msk [tilespmem:v16+s30+$0x560 ss:$0x1], $0xffff;
	v19 =	vmul.f32 v22, v19;
	v23 =	vadd.f32 v46, v23;
	v18 =	vadd.f32 v48, v18  }
0x7c: {  	v59 =	vld.idx.msk [tilespmem:v16+s30+$0x85F0 ss:$0x1], $0xffff;
	v60 =	vmul.f32 v28, v27;
	v21 =	vadd.f32 v45, v21;
	v20 =	vadd.f32 v49, v20  }
0x7d: {  	v57 =	vld.idx.msk [tilespmem:v16+s30+$0x8570 ss:$0x1], $0xffff;
	v61 =	vmul.f32 v47, v44;
	v23 =	vadd.f32 v53, v23;
	v18 =	vadd.f32 v55, v18  }
0x7e: {  	v62 =	vmul.f32 v42, v40;
	v21 =	vadd.f32 v51, v21;
	v20 =	vadd.f32 v56, v20  }
0x7f: {  	v63 =	vmul.f32 v52, v50;
	v0 =	vadd.f32 v0, v23;
	v18 =	vadd.f32 v19, v18  }
0x80: {  	v21 =	vadd.f32 v58, v21;
	v19 =	vmul.f32 v30, v26;
	v20 =	vadd.f32 v60, v20  }
0x81: {  	v1 =	vmul.f32 v59, v1;
	v0 =	vadd.f32 v62, v0;
	v18 =	vadd.f32 v61, v18  }
0x82: {  	v28 =	vmul.f32 v57, v54;
	v19 =	vadd.f32 v19, v21;
	v20 =	vadd.f32 v63, v20  }
0x83: {  	v0 =	vadd.f32 v1, v0;
	[tilespmem:$0x10800] =	vst v18  }
0x84: {  	v19 =	vadd.f32 v28, v19;
	[tilespmem:$0x10880] =	vst v20  }
0x85: {  	[tilespmem:$0x10980] =	vst v0  }
0x86: {  	[tilespmem:$0x10900] =	vst v19  }
0x87: {  	v0 =	vld.idx.msk [tilespmem:v16+s30+$0x600 ss:$0x1], $0xffff  }
0x88: {  	v1 =	vld.idx.msk [tilespmem:v16+s30+$0x8600 ss:$0x1], $0xffff  }
0x89: {  	v18 =	vld.idx.msk [tilespmem:v16+s30+$0x680 ss:$0x1], $0xffff  }
0x8a: {  	v19 =	vld.idx.msk [tilespmem:v16+s30+$0x8680 ss:$0x1], $0xffff  }
0x8b: {  	v20 =	vld.idx.msk [tilespmem:v16+s30+$0x700 ss:$0x1], $0xffff  }
0x8c: {  	v21 =	vld.idx.msk [tilespmem:v16+s30+$0x8700 ss:$0x1], $0xffff  }
0x8d: {  	v22 =	vld.idx.msk [tilespmem:v16+s30+$0x780 ss:$0x1], $0xffff  }
0x8e: {  	v23 =	vld.idx.msk [tilespmem:v16+s30+$0x8780 ss:$0x1], $0xffff  }
0x8f: {  	v24 =	vld.idx.msk [tilespmem:v16+s30+$0x610 ss:$0x1], $0xffff  }
0x90: {  	v25 =	vld.idx.msk [tilespmem:v16+s30+$0x8610 ss:$0x1], $0xffff  }
0x91: {  	v26 =	vld.idx.msk [tilespmem:v16+s30+$0x690 ss:$0x1], $0xffff  }
0x92: {  	v27 =	vld.idx.msk [tilespmem:v16+s30+$0x8690 ss:$0x1], $0xffff  }
0x93: {  	v28 =	vld.idx.msk [tilespmem:v16+s30+$0x710 ss:$0x1], $0xffff  }
0x94: {  	v29 =	vld.idx.msk [tilespmem:v16+s30+$0x8710 ss:$0x1], $0xffff  }
0x95: {  	v30 =	vld.idx.msk [tilespmem:v16+s30+$0x790 ss:$0x1], $0xffff  }
0x96: {  	v31 =	vld.idx.msk [tilespmem:v16+s30+$0x8790 ss:$0x1], $0xffff  }
0x97: {  	v32 =	vld.idx.msk [tilespmem:v16+s30+$0x620 ss:$0x1], $0xffff  }
0x98: {  	v33 =	vld.idx.msk [tilespmem:v16+s30+$0x8620 ss:$0x1], $0xffff  }
0x99: {  	v34 =	vld.idx.msk [tilespmem:v16+s30+$0x6A0 ss:$0x1], $0xffff  }
0x9a: {  	v35 =	vld.idx.msk [tilespmem:v16+s30+$0x86A0 ss:$0x1], $0xffff  }
0x9b: {  	v36 =	vld.idx.msk [tilespmem:v16+s30+$0x720 ss:$0x1], $0xffff  }
0x9c: {  	v37 =	vld.idx.msk [tilespmem:v16+s30+$0x8720 ss:$0x1], $0xffff  }
0x9d: {  	v38 =	vld.idx.msk [tilespmem:v16+s30+$0x7A0 ss:$0x1], $0xffff  }
0x9e: {  	v39 =	vld.idx.msk [tilespmem:v16+s30+$0x87A0 ss:$0x1], $0xffff  }
0x9f: {  	v40 =	vld.idx.msk [tilespmem:v16+s30+$0x630 ss:$0x1], $0xffff  }
0xa0: {  	v41 =	vld.idx.msk [tilespmem:v16+s30+$0x8630 ss:$0x1], $0xffff  }
0xa1: {  	v42 =	vld.idx.msk [tilespmem:v16+s30+$0x6B0 ss:$0x1], $0xffff  }
0xa2: {  	v43 =	vld.idx.msk [tilespmem:v16+s30+$0x86B0 ss:$0x1], $0xffff  }
0xa3: {  	v44 =	vld.idx.msk [tilespmem:v16+s30+$0x730 ss:$0x1], $0xffff  }
0xa4: {  	v45 =	vld.idx.msk [tilespmem:v16+s30+$0x8730 ss:$0x1], $0xffff  }
0xa5: {  	v46 =	vld.idx.msk [tilespmem:v16+s30+$0x7B0 ss:$0x1], $0xffff  }
0xa6: {  	v47 =	vld.idx.msk [tilespmem:v16+s30+$0x87B0 ss:$0x1], $0xffff  }
0xa7: {  	v48 =	vld.idx.msk [tilespmem:v16+s30+$0x640 ss:$0x1], $0xffff  }
0xa8: {  	v49 =	vld.idx.msk [tilespmem:v16+s30+$0x8640 ss:$0x1], $0xffff  }
0xa9: {  	v50 =	vld.idx.msk [tilespmem:v16+s30+$0x6C0 ss:$0x1], $0xffff  }
0xaa: {  	v51 =	vld.idx.msk [tilespmem:v16+s30+$0x86C0 ss:$0x1], $0xffff  }
0xab: {  	v52 =	vld.idx.msk [tilespmem:v16+s30+$0x740 ss:$0x1], $0xffff  }
0xac: {  	v53 =	vld.idx.msk [tilespmem:v16+s30+$0x8740 ss:$0x1], $0xffff  }
0xad: {  	v54 =	vld.idx.msk [tilespmem:v16+s30+$0x7C0 ss:$0x1], $0xffff  }
0xae: {  	v55 =	vld.idx.msk [tilespmem:v16+s30+$0x87C0 ss:$0x1], $0xffff  }
0xaf: {  	v56 =	vld.idx.msk [tilespmem:v16+s30+$0x650 ss:$0x1], $0xffff  }
0xb0: {  	v57 =	vld.idx.msk [tilespmem:v16+s30+$0x8650 ss:$0x1], $0xffff  }
0xb1: {  	v58 =	vld.idx.msk [tilespmem:v16+s30+$0x6D0 ss:$0x1], $0xffff  }
0xb2: {  	v59 =	vld.idx.msk [tilespmem:v16+s30+$0x86D0 ss:$0x1], $0xffff  }
0xb3: {  	v60 =	vld.idx.msk [tilespmem:v16+s30+$0x750 ss:$0x1], $0xffff  }
0xb4: {  	v61 =	vld.idx.msk [tilespmem:v16+s30+$0x8750 ss:$0x1], $0xffff  }
0xb5: {  	v62 =	vld.idx.msk [tilespmem:v16+s30+$0x7D0 ss:$0x1], $0xffff  }
0xb6: {  	v63 =	vld.idx.msk [tilespmem:v16+s30+$0x87D0 ss:$0x1], $0xffff;
	v0 =	vmul.f32 v1, v0;
	v18 =	vmul.f32 v19, v18  }
0xb7: {  	v1 =	vld.idx.msk [tilespmem:v16+s30+$0x660 ss:$0x1], $0xffff;
	v19 =	vmul.f32 v21, v20;
	v21 =	vmul.f32 v25, v24  }
0xb8: {  	v20 =	vld.idx.msk [tilespmem:v16+s30+$0x8660 ss:$0x1], $0xffff;
	v24 =	vmul.f32 v27, v26;
	v22 =	vmul.f32 v23, v22  }
0xb9: {  	v25 =	vld.idx.msk [tilespmem:v16+s30+$0x6E0 ss:$0x1], $0xffff;
	v29 =	vmul.f32 v29, v28;
	v33 =	vmul.f32 v33, v32  }
0xba: {  	v26 =	vld.idx.msk [tilespmem:v16+s30+$0x86E0 ss:$0x1], $0xffff;
	v35 =	vmul.f32 v35, v34;
	v37 =	vmul.f32 v37, v36  }
0xbb: {  	v28 =	vld.idx.msk [tilespmem:v16+s30+$0x8760 ss:$0x1], $0xffff;
	v39 =	vmul.f32 v39, v38;
	v40 =	vmul.f32 v41, v40  }
0xbc: {  	v41 =	vld.idx.msk [tilespmem:v16+s30+$0x87E0 ss:$0x1], $0xffff;
	v42 =	vmul.f32 v43, v42;
	v44 =	vmul.f32 v45, v44  }
0xbd: {  	v43 =	vld.idx.msk [tilespmem:v16+s30+$0x670 ss:$0x1], $0xffff;
	v45 =	vmul.f32 v47, v46;
	v47 =	vmul.f32 v49, v48  }
0xbe: {  	v46 =	vld.idx.msk [tilespmem:v16+s30+$0x8670 ss:$0x1], $0xffff;
	v48 =	vmul.f32 v51, v50;
	v50 =	vmul.f32 v53, v52;
	v0 =	vadd.f32 v21, v0  }
0xbf: {  	v49 =	vld.idx.msk [tilespmem:v16+s30+$0x6F0 ss:$0x1], $0xffff;
	v52 =	vmul.f32 v55, v54;
	v18 =	vadd.f32 v24, v18;
	v21 =	vmul.f32 v31, v30  }
0xc0: {  	v51 =	vld.idx.msk [tilespmem:v16+s30+$0x86F0 ss:$0x1], $0xffff;
	v54 =	vmul.f32 v57, v56;
	v19 =	vadd.f32 v29, v19;
	v0 =	vadd.f32 v33, v0  }
0xc1: {  	v53 =	vld.idx.msk [tilespmem:v16+s30+$0x770 ss:$0x1], $0xffff;
	v55 =	vmul.f32 v59, v58;
	v21 =	vadd.f32 v21, v22;
	v18 =	vadd.f32 v35, v18  }
0xc2: {  	v57 =	vmul.f32 v61, v60;
	v30 =	vld.idx.msk [tilespmem:v16+s30+$0x7E0 ss:$0x1], $0xffff;
	v19 =	vadd.f32 v37, v19;
	v0 =	vadd.f32 v40, v0  }
0xc3: {  	v58 =	vmul.f32 v63, v62;
	v24 =	vld.idx.msk [tilespmem:v16+s30+$0x760 ss:$0x1], $0xffff;
	v21 =	vadd.f32 v39, v21;
	v18 =	vadd.f32 v42, v18  }
0xc4: {  	v56 =	vld.idx.msk [tilespmem:v16+s30+$0x8770 ss:$0x1], $0xffff;
	v1 =	vmul.f32 v20, v1;
	v19 =	vadd.f32 v44, v19;
	v0 =	vadd.f32 v47, v0  }
0xc5: {  	v59 =	vld.idx.msk [tilespmem:v16+s30+$0x7F0 ss:$0x1], $0xffff;
	v61 =	vmul.f32 v26, v25;
	v21 =	vadd.f32 v45, v21;
	v18 =	vadd.f32 v48, v18  }
0xc6: {  	v60 =	vld.idx.msk [tilespmem:v16+s30+$0x87F0 ss:$0x1], $0xffff;
	v62 =	vmul.f32 v46, v43;
	v19 =	vadd.f32 v50, v19;
	v0 =	vadd.f32 v54, v0  }
0xc7: {  	v63 =	vmul.f32 v41, v30;
	v21 =	vadd.f32 v52, v21;
	v18 =	vadd.f32 v55, v18  }
0xc8: {  	v19 =	vadd.f32 v57, v19;
	v0 =	vadd.f32 v1, v0;
	v1 =	vmul.f32 v28, v24  }
0xc9: {  	v21 =	vadd.f32 v58, v21;
	v18 =	vadd.f32 v61, v18;
	v28 =	vmul.f32 v51, v49  }
0xca: {  	v1 =	vadd.f32 v1, v19;
	v0 =	vadd.f32 v62, v0;
	v19 =	vmul.f32 v56, v53  }
0xcb: {  	v20 =	vmul.f32 v60, v59;
	v21 =	vadd.f32 v63, v21;
	v18 =	vadd.f32 v28, v18  }
0xcc: {  	v1 =	vadd.f32 v19, v1;
	[tilespmem:$0x10A00] =	vst v0  }
0xcd: {  	v0 =	vadd.f32 v20, v21;
	[tilespmem:$0x10A80] =	vst v18  }
0xce: {  	[tilespmem:$0x10B00] =	vst v1  }
0xcf: {  	[tilespmem:$0x10B80] =	vst v0  }
0xd0: {  	v0 =	vld.idx.msk [tilespmem:v16+s30+$0x800 ss:$0x1], $0xffff  }
0xd1: {  	v1 =	vld.idx.msk [tilespmem:v16+s30+$0x8800 ss:$0x1], $0xffff  }
0xd2: {  	v18 =	vld.idx.msk [tilespmem:v16+s30+$0x880 ss:$0x1], $0xffff  }
0xd3: {  	v19 =	vld.idx.msk [tilespmem:v16+s30+$0x8880 ss:$0x1], $0xffff  }
0xd4: {  	v20 =	vld.idx.msk [tilespmem:v16+s30+$0x900 ss:$0x1], $0xffff  }
0xd5: {  	v21 =	vld.idx.msk [tilespmem:v16+s30+$0x8900 ss:$0x1], $0xffff  }
0xd6: {  	v22 =	vld.idx.msk [tilespmem:v16+s30+$0x980 ss:$0x1], $0xffff  }
0xd7: {  	v23 =	vld.idx.msk [tilespmem:v16+s30+$0x8980 ss:$0x1], $0xffff  }
0xd8: {  	v24 =	vld.idx.msk [tilespmem:v16+s30+$0x810 ss:$0x1], $0xffff  }
0xd9: {  	v25 =	vld.idx.msk [tilespmem:v16+s30+$0x8810 ss:$0x1], $0xffff  }
0xda: {  	v26 =	vld.idx.msk [tilespmem:v16+s30+$0x890 ss:$0x1], $0xffff  }
0xdb: {  	v27 =	vld.idx.msk [tilespmem:v16+s30+$0x8890 ss:$0x1], $0xffff  }
0xdc: {  	v28 =	vld.idx.msk [tilespmem:v16+s30+$0x910 ss:$0x1], $0xffff  }
0xdd: {  	v29 =	vld.idx.msk [tilespmem:v16+s30+$0x8910 ss:$0x1], $0xffff  }
0xde: {  	v30 =	vld.idx.msk [tilespmem:v16+s30+$0x990 ss:$0x1], $0xffff  }
0xdf: {  	v31 =	vld.idx.msk [tilespmem:v16+s30+$0x8990 ss:$0x1], $0xffff  }
0xe0: {  	v32 =	vld.idx.msk [tilespmem:v16+s30+$0x820 ss:$0x1], $0xffff  }
0xe1: {  	v33 =	vld.idx.msk [tilespmem:v16+s30+$0x8820 ss:$0x1], $0xffff  }
0xe2: {  	v34 =	vld.idx.msk [tilespmem:v16+s30+$0x8A0 ss:$0x1], $0xffff  }
0xe3: {  	v35 =	vld.idx.msk [tilespmem:v16+s30+$0x88A0 ss:$0x1], $0xffff  }
0xe4: {  	v36 =	vld.idx.msk [tilespmem:v16+s30+$0x920 ss:$0x1], $0xffff  }
0xe5: {  	v37 =	vld.idx.msk [tilespmem:v16+s30+$0x8920 ss:$0x1], $0xffff  }
0xe6: {  	v38 =	vld.idx.msk [tilespmem:v16+s30+$0x9A0 ss:$0x1], $0xffff  }
0xe7: {  	v39 =	vld.idx.msk [tilespmem:v16+s30+$0x89A0 ss:$0x1], $0xffff  }
0xe8: {  	v40 =	vld.idx.msk [tilespmem:v16+s30+$0x830 ss:$0x1], $0xffff  }
0xe9: {  	v41 =	vld.idx.msk [tilespmem:v16+s30+$0x8830 ss:$0x1], $0xffff  }
0xea: {  	v42 =	vld.idx.msk [tilespmem:v16+s30+$0x8B0 ss:$0x1], $0xffff  }
0xeb: {  	v43 =	vld.idx.msk [tilespmem:v16+s30+$0x88B0 ss:$0x1], $0xffff  }
0xec: {  	v44 =	vld.idx.msk [tilespmem:v16+s30+$0x930 ss:$0x1], $0xffff  }
0xed: {  	v45 =	vld.idx.msk [tilespmem:v16+s30+$0x8930 ss:$0x1], $0xffff  }
0xee: {  	v46 =	vld.idx.msk [tilespmem:v16+s30+$0x9B0 ss:$0x1], $0xffff  }
0xef: {  	v47 =	vld.idx.msk [tilespmem:v16+s30+$0x89B0 ss:$0x1], $0xffff  }
0xf0: {  	v48 =	vld.idx.msk [tilespmem:v16+s30+$0x840 ss:$0x1], $0xffff  }
0xf1: {  	v49 =	vld.idx.msk [tilespmem:v16+s30+$0x8840 ss:$0x1], $0xffff  }
0xf2: {  	v50 =	vld.idx.msk [tilespmem:v16+s30+$0x8C0 ss:$0x1], $0xffff  }
0xf3: {  	v51 =	vld.idx.msk [tilespmem:v16+s30+$0x88C0 ss:$0x1], $0xffff  }
0xf4: {  	v52 =	vld.idx.msk [tilespmem:v16+s30+$0x940 ss:$0x1], $0xffff  }
0xf5: {  	v53 =	vld.idx.msk [tilespmem:v16+s30+$0x8940 ss:$0x1], $0xffff  }
0xf6: {  	v54 =	vld.idx.msk [tilespmem:v16+s30+$0x9C0 ss:$0x1], $0xffff  }
0xf7: {  	v55 =	vld.idx.msk [tilespmem:v16+s30+$0x89C0 ss:$0x1], $0xffff  }
0xf8: {  	v56 =	vld.idx.msk [tilespmem:v16+s30+$0x850 ss:$0x1], $0xffff  }
0xf9: {  	v57 =	vld.idx.msk [tilespmem:v16+s30+$0x8850 ss:$0x1], $0xffff  }
0xfa: {  	v58 =	vld.idx.msk [tilespmem:v16+s30+$0x8D0 ss:$0x1], $0xffff  }
0xfb: {  	v59 =	vld.idx.msk [tilespmem:v16+s30+$0x88D0 ss:$0x1], $0xffff  }
0xfc: {  	v60 =	vld.idx.msk [tilespmem:v16+s30+$0x950 ss:$0x1], $0xffff  }
0xfd: {  	v61 =	vld.idx.msk [tilespmem:v16+s30+$0x8950 ss:$0x1], $0xffff  }
0xfe: {  	v62 =	vld.idx.msk [tilespmem:v16+s30+$0x9D0 ss:$0x1], $0xffff  }
0xff: {  	v63 =	vld.idx.msk [tilespmem:v16+s30+$0x89D0 ss:$0x1], $0xffff;
	v0 =	vmul.f32 v1, v0;
	v18 =	vmul.f32 v19, v18  }
0x100: {  	v1 =	vld.idx.msk [tilespmem:v16+s30+$0x860 ss:$0x1], $0xffff;
	v19 =	vmul.f32 v21, v20;
	v21 =	vmul.f32 v25, v24  }
0x101: {  	v20 =	vld.idx.msk [tilespmem:v16+s30+$0x8860 ss:$0x1], $0xffff;
	v24 =	vmul.f32 v27, v26;
	v22 =	vmul.f32 v23, v22  }
0x102: {  	v25 =	vld.idx.msk [tilespmem:v16+s30+$0x8E0 ss:$0x1], $0xffff;
	v29 =	vmul.f32 v29, v28;
	v33 =	vmul.f32 v33, v32  }
0x103: {  	v26 =	vld.idx.msk [tilespmem:v16+s30+$0x88E0 ss:$0x1], $0xffff;
	v35 =	vmul.f32 v35, v34;
	v37 =	vmul.f32 v37, v36  }
0x104: {  	v28 =	vld.idx.msk [tilespmem:v16+s30+$0x8960 ss:$0x1], $0xffff;
	v39 =	vmul.f32 v39, v38;
	v40 =	vmul.f32 v41, v40  }
0x105: {  	v41 =	vld.idx.msk [tilespmem:v16+s30+$0x89E0 ss:$0x1], $0xffff;
	v42 =	vmul.f32 v43, v42;
	v44 =	vmul.f32 v45, v44  }
0x106: {  	v43 =	vld.idx.msk [tilespmem:v16+s30+$0x870 ss:$0x1], $0xffff;
	v45 =	vmul.f32 v47, v46;
	v47 =	vmul.f32 v49, v48  }
0x107: {  	v46 =	vld.idx.msk [tilespmem:v16+s30+$0x8870 ss:$0x1], $0xffff;
	v48 =	vmul.f32 v51, v50;
	v50 =	vmul.f32 v53, v52;
	v0 =	vadd.f32 v21, v0  }
0x108: {  	v49 =	vld.idx.msk [tilespmem:v16+s30+$0x8F0 ss:$0x1], $0xffff;
	v52 =	vmul.f32 v55, v54;
	v18 =	vadd.f32 v24, v18;
	v21 =	vmul.f32 v31, v30  }
0x109: {  	v51 =	vld.idx.msk [tilespmem:v16+s30+$0x88F0 ss:$0x1], $0xffff;
	v54 =	vmul.f32 v57, v56;
	v19 =	vadd.f32 v29, v19;
	v0 =	vadd.f32 v33, v0  }
0x10a: {  	v53 =	vld.idx.msk [tilespmem:v16+s30+$0x970 ss:$0x1], $0xffff;
	v55 =	vmul.f32 v59, v58;
	v21 =	vadd.f32 v21, v22;
	v18 =	vadd.f32 v35, v18  }
0x10b: {  	v57 =	vmul.f32 v61, v60;
	v30 =	vld.idx.msk [tilespmem:v16+s30+$0x9E0 ss:$0x1], $0xffff;
	v19 =	vadd.f32 v37, v19;
	v0 =	vadd.f32 v40, v0  }
0x10c: {  	v58 =	vmul.f32 v63, v62;
	v24 =	vld.idx.msk [tilespmem:v16+s30+$0x960 ss:$0x1], $0xffff;
	v21 =	vadd.f32 v39, v21;
	v18 =	vadd.f32 v42, v18  }
0x10d: {  	v56 =	vld.idx.msk [tilespmem:v16+s30+$0x8970 ss:$0x1], $0xffff;
	v1 =	vmul.f32 v20, v1;
	v19 =	vadd.f32 v44, v19;
	v0 =	vadd.f32 v47, v0  }
0x10e: {  	v59 =	vld.idx.msk [tilespmem:v16+s30+$0x9F0 ss:$0x1], $0xffff;
	v61 =	vmul.f32 v26, v25;
	v21 =	vadd.f32 v45, v21;
	v18 =	vadd.f32 v48, v18  }
0x10f: {  	v60 =	vld.idx.msk [tilespmem:v16+s30+$0x89F0 ss:$0x1], $0xffff;
	v62 =	vmul.f32 v46, v43;
	v19 =	vadd.f32 v50, v19;
	v0 =	vadd.f32 v54, v0  }
0x110: {  	v63 =	vmul.f32 v41, v30;
	v21 =	vadd.f32 v52, v21;
	v18 =	vadd.f32 v55, v18  }
0x111: {  	v19 =	vadd.f32 v57, v19;
	v0 =	vadd.f32 v1, v0;
	v1 =	vmul.f32 v28, v24  }
0x112: {  	v21 =	vadd.f32 v58, v21;
	v18 =	vadd.f32 v61, v18;
	v28 =	vmul.f32 v51, v49  }
0x113: {  	v1 =	vadd.f32 v1, v19;
	v0 =	vadd.f32 v62, v0;
	v19 =	vmul.f32 v56, v53  }
0x114: {  	v20 =	vmul.f32 v60, v59;
	v21 =	vadd.f32 v63, v21;
	v18 =	vadd.f32 v28, v18  }
0x115: {  	v1 =	vadd.f32 v19, v1;
	[tilespmem:$0x10C00] =	vst v0  }
0x116: {  	v0 =	vadd.f32 v20, v21;
	[tilespmem:$0x10C80] =	vst v18  }
0x117: {  	[tilespmem:$0x10D00] =	vst v1  }
0x118: {  	[tilespmem:$0x10D80] =	vst v0  }
0x119: {  	v0 =	vld.idx.msk [tilespmem:v16+s30+$0xA00 ss:$0x1], $0xffff  }
0x11a: {  	v1 =	vld.idx.msk [tilespmem:v16+s30+$0x8A00 ss:$0x1], $0xffff  }
0x11b: {  	v18 =	vld.idx.msk [tilespmem:v16+s30+$0xA80 ss:$0x1], $0xffff  }
0x11c: {  	v19 =	vld.idx.msk [tilespmem:v16+s30+$0x8A80 ss:$0x1], $0xffff  }
0x11d: {  	v20 =	vld.idx.msk [tilespmem:v16+s30+$0xB00 ss:$0x1], $0xffff  }
0x11e: {  	v21 =	vld.idx.msk [tilespmem:v16+s30+$0x8B00 ss:$0x1], $0xffff  }
0x11f: {  	v22 =	vld.idx.msk [tilespmem:v16+s30+$0xB80 ss:$0x1], $0xffff  }
0x120: {  	v23 =	vld.idx.msk [tilespmem:v16+s30+$0x8B80 ss:$0x1], $0xffff  }
0x121: {  	v24 =	vld.idx.msk [tilespmem:v16+s30+$0xA10 ss:$0x1], $0xffff  }
0x122: {  	v25 =	vld.idx.msk [tilespmem:v16+s30+$0x8A10 ss:$0x1], $0xffff  }
0x123: {  	v26 =	vld.idx.msk [tilespmem:v16+s30+$0xA90 ss:$0x1], $0xffff  }
0x124: {  	v27 =	vld.idx.msk [tilespmem:v16+s30+$0x8A90 ss:$0x1], $0xffff  }
0x125: {  	v28 =	vld.idx.msk [tilespmem:v16+s30+$0xB10 ss:$0x1], $0xffff  }
0x126: {  	v29 =	vld.idx.msk [tilespmem:v16+s30+$0x8B10 ss:$0x1], $0xffff  }
0x127: {  	v30 =	vld.idx.msk [tilespmem:v16+s30+$0xB90 ss:$0x1], $0xffff  }
0x128: {  	v31 =	vld.idx.msk [tilespmem:v16+s30+$0x8B90 ss:$0x1], $0xffff  }
0x129: {  	v32 =	vld.idx.msk [tilespmem:v16+s30+$0xA20 ss:$0x1], $0xffff  }
0x12a: {  	v33 =	vld.idx.msk [tilespmem:v16+s30+$0x8A20 ss:$0x1], $0xffff  }
0x12b: {  	v34 =	vld.idx.msk [tilespmem:v16+s30+$0xAA0 ss:$0x1], $0xffff  }
0x12c: {  	v35 =	vld.idx.msk [tilespmem:v16+s30+$0x8AA0 ss:$0x1], $0xffff  }
0x12d: {  	v36 =	vld.idx.msk [tilespmem:v16+s30+$0xB20 ss:$0x1], $0xffff  }
0x12e: {  	v37 =	vld.idx.msk [tilespmem:v16+s30+$0x8B20 ss:$0x1], $0xffff  }
0x12f: {  	v38 =	vld.idx.msk [tilespmem:v16+s30+$0xBA0 ss:$0x1], $0xffff  }
0x130: {  	v39 =	vld.idx.msk [tilespmem:v16+s30+$0x8BA0 ss:$0x1], $0xffff  }
0x131: {  	v40 =	vld.idx.msk [tilespmem:v16+s30+$0xA30 ss:$0x1], $0xffff  }
0x132: {  	v41 =	vld.idx.msk [tilespmem:v16+s30+$0x8A30 ss:$0x1], $0xffff  }
0x133: {  	v42 =	vld.idx.msk [tilespmem:v16+s30+$0xAB0 ss:$0x1], $0xffff  }
0x134: {  	v43 =	vld.idx.msk [tilespmem:v16+s30+$0x8AB0 ss:$0x1], $0xffff  }
0x135: {  	v44 =	vld.idx.msk [tilespmem:v16+s30+$0xB30 ss:$0x1], $0xffff  }
0x136: {  	v45 =	vld.idx.msk [tilespmem:v16+s30+$0x8B30 ss:$0x1], $0xffff  }
0x137: {  	v46 =	vld.idx.msk [tilespmem:v16+s30+$0xBB0 ss:$0x1], $0xffff  }
0x138: {  	v47 =	vld.idx.msk [tilespmem:v16+s30+$0x8BB0 ss:$0x1], $0xffff  }
0x139: {  	v48 =	vld.idx.msk [tilespmem:v16+s30+$0xA40 ss:$0x1], $0xffff  }
0x13a: {  	v49 =	vld.idx.msk [tilespmem:v16+s30+$0x8A40 ss:$0x1], $0xffff  }
0x13b: {  	v50 =	vld.idx.msk [tilespmem:v16+s30+$0xAC0 ss:$0x1], $0xffff  }
0x13c: {  	v51 =	vld.idx.msk [tilespmem:v16+s30+$0x8AC0 ss:$0x1], $0xffff  }
0x13d: {  	v52 =	vld.idx.msk [tilespmem:v16+s30+$0xB40 ss:$0x1], $0xffff  }
0x13e: {  	v53 =	vld.idx.msk [tilespmem:v16+s30+$0x8B40 ss:$0x1], $0xffff  }
0x13f: {  	v54 =	vld.idx.msk [tilespmem:v16+s30+$0xBC0 ss:$0x1], $0xffff  }
0x140: {  	v55 =	vld.idx.msk [tilespmem:v16+s30+$0x8BC0 ss:$0x1], $0xffff  }
0x141: {  	v56 =	vld.idx.msk [tilespmem:v16+s30+$0xA50 ss:$0x1], $0xffff  }
0x142: {  	v57 =	vld.idx.msk [tilespmem:v16+s30+$0x8A50 ss:$0x1], $0xffff  }
0x143: {  	v58 =	vld.idx.msk [tilespmem:v16+s30+$0xAD0 ss:$0x1], $0xffff  }
0x144: {  	v59 =	vld.idx.msk [tilespmem:v16+s30+$0x8AD0 ss:$0x1], $0xffff  }
0x145: {  	v60 =	vld.idx.msk [tilespmem:v16+s30+$0xB50 ss:$0x1], $0xffff  }
0x146: {  	v61 =	vld.idx.msk [tilespmem:v16+s30+$0x8B50 ss:$0x1], $0xffff  }
0x147: {  	v62 =	vld.idx.msk [tilespmem:v16+s30+$0xBD0 ss:$0x1], $0xffff  }
0x148: {  	v63 =	vld.idx.msk [tilespmem:v16+s30+$0x8BD0 ss:$0x1], $0xffff;
	v0 =	vmul.f32 v1, v0;
	v18 =	vmul.f32 v19, v18  }
0x149: {  	v1 =	vld.idx.msk [tilespmem:v16+s30+$0xA60 ss:$0x1], $0xffff;
	v19 =	vmul.f32 v21, v20;
	v21 =	vmul.f32 v25, v24  }
0x14a: {  	v20 =	vld.idx.msk [tilespmem:v16+s30+$0x8A60 ss:$0x1], $0xffff;
	v24 =	vmul.f32 v27, v26;
	v22 =	vmul.f32 v23, v22  }
0x14b: {  	v25 =	vld.idx.msk [tilespmem:v16+s30+$0xAE0 ss:$0x1], $0xffff;
	v29 =	vmul.f32 v29, v28;
	v33 =	vmul.f32 v33, v32  }
0x14c: {  	v26 =	vld.idx.msk [tilespmem:v16+s30+$0x8AE0 ss:$0x1], $0xffff;
	v35 =	vmul.f32 v35, v34;
	v37 =	vmul.f32 v37, v36  }
0x14d: {  	v28 =	vld.idx.msk [tilespmem:v16+s30+$0x8B60 ss:$0x1], $0xffff;
	v39 =	vmul.f32 v39, v38;
	v41 =	vmul.f32 v41, v40  }
0x14e: {  	v27 =	vld.idx.msk [tilespmem:v16+s30+$0x8BE0 ss:$0x1], $0xffff;
	v43 =	vmul.f32 v43, v42;
	v45 =	vmul.f32 v45, v44  }
0x14f: {  	v46 =	vmul.f32 v47, v46;
	v47 =	vld.idx.msk [tilespmem:v16+s30+$0x8A70 ss:$0x1], $0xffff;
	v49 =	vmul.f32 v49, v48  }
0x150: {  	v50 =	vmul.f32 v51, v50;
	v51 =	vld.idx.msk [tilespmem:v16+s30+$0xAF0 ss:$0x1], $0xffff;
	v52 =	vmul.f32 v53, v52;
	v0 =	vadd.f32 v21, v0  }
0x151: {  	v53 =	vld.idx.msk [tilespmem:v16+s30+$0x8AF0 ss:$0x1], $0xffff;
	v54 =	vmul.f32 v55, v54;
	v18 =	vadd.f32 v24, v18;
	v21 =	vmul.f32 v31, v30  }
0x152: {  	v55 =	vld.idx.msk [tilespmem:v16+s30+$0xB70 ss:$0x1], $0xffff;
	v57 =	vmul.f32 v57, v56;
	v19 =	vadd.f32 v29, v19;
	v0 =	vadd.f32 v33, v0  }
0x153: {  	v58 =	vmul.f32 v59, v58;
	v29 =	vld.idx.msk [tilespmem:v16+s30+$0xA70 ss:$0x1], $0xffff;
	v21 =	vadd.f32 v21, v22;
	v18 =	vadd.f32 v35, v18  }
0x154: {  	v61 =	vmul.f32 v61, v60;
	v30 =	vld.idx.msk [tilespmem:v16+s30+$0xBE0 ss:$0x1], $0xffff;
	v19 =	vadd.f32 v37, v19;
	v0 =	vadd.f32 v41, v0  }
0x155: {  	v40 =	vmul.f32 v63, v62;
	v24 =	vld.idx.msk [tilespmem:v16+s30+$0xB60 ss:$0x1], $0xffff;
	v21 =	vadd.f32 v39, v21;
	v18 =	vadd.f32 v43, v18  }
0x156: {  	v59 =	vld.idx.msk [tilespmem:v16+s30+$0x8B70 ss:$0x1], $0xffff;
	v1 =	vmul.f32 v20, v1;
	v19 =	vadd.f32 v45, v19;
	v0 =	vadd.f32 v49, v0  }
0x157: {  	v42 =	vld.idx.msk [tilespmem:v16+s30+$0x8BF0 ss:$0x1], $0xffff;
	v43 =	vmul.f32 v26, v25;
	v21 =	vadd.f32 v46, v21;
	v18 =	vadd.f32 v50, v18  }
0x158: {  	v41 =	vld.idx.msk [tilespmem:v16+s30+$0xBF0 ss:$0x1], $0xffff;
	v44 =	vmul.f32 v47, v29;
	v19 =	vadd.f32 v52, v19;
	v0 =	vadd.f32 v57, v0  }
0x159: {  	v45 =	vmul.f32 v27, v30;
	v21 =	vadd.f32 v54, v21;
	v18 =	vadd.f32 v58, v18  }
0x15a: {  	v19 =	vadd.f32 v61, v19;
	v0 =	vadd.f32 v1, v0;
	v1 =	vmul.f32 v28, v24  }
0x15b: {  	v46 =	vmul.f32 v53, v51;
	v21 =	vadd.f32 v40, v21;
	v18 =	vadd.f32 v43, v18  }
0x15c: {  	v1 =	vadd.f32 v1, v19;
	v0 =	vadd.f32 v44, v0;
	v19 =	vmul.f32 v59, v55  }
0x15d: {  	v20 =	vmul.f32 v42, v41;
	v21 =	vadd.f32 v45, v21;
	v18 =	vadd.f32 v46, v18  }
0x15e: {  	v1 =	vadd.f32 v19, v1;
	[tilespmem:$0x10E00] =	vst v0  }
0x15f: {  	v0 =	vadd.f32 v20, v21;
	[tilespmem:$0x10E80] =	vst v18  }
0x160: {  	[tilespmem:$0x10F00] =	vst v1  }
0x161: {  	v47 =	vld [tilespmem:$0x1FFF0];
	[tilespmem:$0x10F80] =	vst v0  }
0x162: {  	v0 =	vld.idx.msk [tilespmem:v2+s22+$0x0], $0xffff  }
0x163: {  	v1 =	vld.idx.msk [tilespmem:v3+s22+$0x0], $0xffff  }
0x164: {  	v18 =	vld.idx.msk [tilespmem:v4+s22+$0x0], $0xffff  }
0x165: {  	v19 =	vld.idx.msk [tilespmem:v5+s22+$0x0], $0xffff  }
0x166: {  	v48 =	vld.idx.msk [tilespmem:v6+s22+$0x0], $0xffff  }
0x167: {  	v49 =	vld.idx.msk [tilespmem:v7+s22+$0x0], $0xffff  }
0x168: {  	v50 =	vld.idx.msk [tilespmem:v8+s22+$0x0], $0xffff  }
0x169: {  	v51 =	vld.idx.msk [tilespmem:v9+s22+$0x0], $0xffff  }
0x16a: {  	v52 =	vld.idx.msk [tilespmem:v10+s22+$0x0], $0xffff  }
0x16b: {  	v53 =	vld.idx.msk [tilespmem:v11+s22+$0x0], $0xffff  }
0x16c: {  	v54 =	vld.idx.msk [tilespmem:v12+s22+$0x0], $0xffff  }
0x16d: {  	v55 =	vld.idx.msk [tilespmem:v13+s22+$0x0], $0xffff  }
0x16e: {  	v56 =	vld.idx.msk [tilespmem:v14+s22+$0x0], $0xffff  }
0x16f: {  	v57 =	vld.idx.msk [tilespmem:v15+s22+$0x0], $0xffff  }
0x170: {  	v58 =	vld.idx.msk [tilespmem:v17+s22+$0x0], $0xffff  }
0x171: {  	v59 =	vld.idx.msk [tilespmem:v47+s22+$0x0], $0xffff;
	_ =	sdelay $0x1  }
0x172: {  	v0 =	vadd.f32 v1, v0;
	v1 =	vadd.f32 v19, v18  }
0x173: {  	v18 =	vadd.f32 v49, v48;
	v19 =	vadd.f32 v51, v50  }
0x174: {  	v60 =	vadd.f32 v53, v52;
	v61 =	vadd.f32 v55, v54  }
0x175: {  	v62 =	vadd.f32 v57, v56;
	v63 =	vadd.f32 v59, v58  }
0x176: {  	v0 =	vadd.f32 v1, v0;
	v1 =	vadd.f32 v19, v18  }
0x177: {  	v18 =	vadd.f32 v61, v60;
	v19 =	vadd.f32 v63, v62;
	_ =	sdelay $0x1  }
0x178: {  	v0 =	vadd.f32 v1, v0;
	v1 =	vadd.f32 v19, v18;
	_ =	sdelay $0x1  }
0x179: {  	v0 =	vadd.f32 v1, v0;
	v1 =	vld [tilespmem:$0x1FFE0];
	_ =	sdelay $0x2  }
0x17a: {  	p0 =	seq.s32 s29, $0x7  }
.Ltmp0:
0x17b: {  	_ = 	snop;
	(pc) =	sbr.rel @!p0 .LBB2_4-.Ltmp0, $4  }
0x17c: {  	_ = 	snop  }
0x17d: {  	s0 =	sshll.u32 s29, $0x4  }
0x17e: {  	s0 =	sand.u32 $0x3FFFFFF0, s0  }
0x17f: {  	s29 =	sadd.s32 $0x1, s29;
	v32 =	vmov v17;
	[tilespmem:v1+s0+$0x0 ss:$0x1] =	vst.idx.msk $0xffff, v0  }
0x180: {  	p0 =	seq.s32 s28, $0x4  }
.Ltmp1:
0x181: {  	_ = 	snop;
	(pc) =	sbr.rel @!p0 .LBB2_3-.Ltmp1, $1  }
0x182: {  	_ =	sdelay $0x3  }
0x183: {  	_ =	swait.ge [sflag:s23], $0x80  }
0x184: {  	[sflag:s23] =	ssyncset.done $0x0  }
0x185: {  	[sflag:s23] =	ssyncadd.s32 $0xFFFFFF80  }
0x186: {  	_ =	swait.ge [sflag:s23], $0x80  }
0x187: {  	[sflag:s23] =	ssyncset.done $0x0  }
0x188: {  	[sflag:s23] =	ssyncadd.s32 $0xFFFFFF80  }
0x189: {  	_ =	swait.ge [sflag:s23], $0x80  }
0x18a: {  	[sflag:s23] =	ssyncset.done $0x0  }
0x18b: {  	[sflag:s23] =	ssyncadd.s32 $0xFFFFFF80  }
0x18c: {  	_ =	swait.ge [sflag:s23], $0x80  }
0x18d: {  	[sflag:s23] =	ssyncset.done $0x0  }
0x18e: {  	s28 =	simm.s32 $0x0;
	[sflag:s23] =	ssyncadd.s32 $0xFFFFFF80  }
0x18f: {  	v18 =	vld [tilespmem:s28+$0x10400]  }
0x190: {  	v19 =	vld [tilespmem:s28+$0x10410]  }
0x191: {  	v17 =	vld [tilespmem:s28+$0x10420]  }
0x192: {  	v16 =	vld [tilespmem:s28+$0x10430]  }
0x193: {  	v20 =	vld [tilespmem:s28+$0x10600]  }
0x194: {  	v21 =	vld [tilespmem:s28+$0x10610]  }
0x195: {  	s29 =	simm.s32 $0x100;
	v22 =	vld [tilespmem:s28+$0x10620]  }
.LBB2_6:
0x196: {  	p0 =	sne.s32 s29, $0x700;
	v0 =	vld [tilespmem:s28+$0x10630];
	_ =	sdelay $0x1  }
0x197: {  	v1 =	vadd.f32 v18, v20  }
0x198: {  	v18 =	vadd.f32 v19, v21  }
0x199: {  	v1 =	vsub.f32 $0.0e+00, v1;
	v17 =	vadd.f32 v17, v22  }
0x19a: {  	v18 =	vsub.f32 $0.0e+00, v18;
	v0 =	vadd.f32 v16, v0  }
0x19b: {  	v1 =	vmul.f32 $1.442695020e+00, v1;
	v16 =	vsub.f32 $0.0e+00, v17  }
0x19c: {  	v17 =	vmul.f32 $1.442695020e+00, v18;
	v0 =	vsub.f32 $0.0e+00, v0  }
0x19d: {  	v16 =	vmul.f32 $1.442695020e+00, v16;
	(erf) = vpow2.f32 v1  }
0x19e: {  	v0 =	vmul.f32 $1.442695020e+00, v0;
	(erf) = vpow2.f32 v17  }
0x19f: {  	(erf) = vpow2.f32 v16  }
0x1a0: {  	(erf) = vpow2.f32 v0;
	_ =	sdelay $0x5  }
0x1a1: {  	v0 =	vpop (erf)  }
0x1a2: {  	v17 =	vadd.f32 $1.000000000e+00, v0;
	v1 =	vpop (erf)  }
0x1a3: {  	v1 =	vadd.f32 $1.000000000e+00, v1;
	v16 =	vpop (erf)  }
0x1a4: {  	v16 =	vadd.f32 $1.000000000e+00, v16;
	(erf) = vrcp.f32 v17;
	v0 =	vpop (erf)  }
0x1a5: {  	v0 =	vadd.f32 $1.000000000e+00, v0;
	(erf) = vrcp.f32 v1  }
0x1a6: {  	(erf) = vrcp.f32 v16  }
0x1a7: {  	(erf) = vrcp.f32 v0;
	_ =	sdelay $0x2  }
0x1a8: {  	s0 =	sshra.s32 s29, $0x2  }
0x1a9: {  	v18 =	vld [tilespmem:s0+$0x10400]  }
0x1aa: {  	v19 =	vld [tilespmem:s0+$0x10410]  }
.Ltmp2:
0x1ab: {  	v17 =	vld [tilespmem:s0+$0x10420];
	v0 =	vpop (erf);
	(pc) =	sbr.rel @p0 .LBB2_6-.Ltmp2, $4  }
0x1ac: {  	v16 =	vld [tilespmem:s0+$0x10430];
	[tilespmem:s28+$0x10600] =	vst v0;
	v0 =	vpop (erf)  }
0x1ad: {  	v20 =	vld [tilespmem:s0+$0x10600];
	[tilespmem:s28+$0x10610] =	vst v0;
	v0 =	vpop (erf)  }
0x1ae: {  	v21 =	vld [tilespmem:s0+$0x10610];
	[tilespmem:s28+$0x10620] =	vst v0;
	v0 =	vpop (erf)  }
0x1af: {  	s29 =	sadd.s32 $0x100, s29;
	v22 =	vld [tilespmem:s0+$0x10620];
	[tilespmem:s28+$0x10630] =	vst v0;
	s28 =	smov.u32 s0  }
0x1b0: {  	_ =	sdelay $0x1  }
0x1b1: {  	v0 =	vld [tilespmem:s28+$0x10630];
	v1 =	vadd.f32 v18, v20;
	_ =	sdelay $0x1  }
0x1b2: {  	v1 =	vsub.f32 $0.0e+00, v1  }
0x1b3: {  	v63 =	vadd.f32 v19, v21  }
0x1b4: {  	v17 =	vadd.f32 v17, v22;
	v1 =	vmul.f32 $1.442695020e+00, v1  }
0x1b5: {  	v18 =	vsub.f32 $0.0e+00, v63;
	v0 =	vadd.f32 v16, v0  }
0x1b6: {  	v16 =	vsub.f32 $0.0e+00, v17;
	(erf) = vpow2.f32 v1  }
0x1b7: {  	v17 =	vmul.f32 $1.442695020e+00, v18;
	v0 =	vsub.f32 $0.0e+00, v0  }
0x1b8: {  	v16 =	vmul.f32 $1.442695020e+00, v16  }
0x1b9: {  	v0 =	vmul.f32 $1.442695020e+00, v0;
	(erf) = vpow2.f32 v17  }
0x1ba: {  	(erf) = vpow2.f32 v16  }
0x1bb: {  	(erf) = vpow2.f32 v0;
	_ =	sdelay $0x3  }
0x1bc: {  	v0 =	vpop (erf)  }
0x1bd: {  	v0 =	vadd.f32 $1.000000000e+00, v0;
	_ =	sdelay $0x1  }
0x1be: {  	v1 =	vpop (erf)  }
0x1bf: {  	v1 =	vadd.f32 $1.000000000e+00, v1;
	v16 =	vpop (erf)  }
0x1c0: {  	v16 =	vadd.f32 $1.000000000e+00, v16;
	(erf) = vrcp.f32 v0;
	v0 =	vpop (erf)  }
0x1c1: {  	(erf) = vrcp.f32 v1;
	v0 =	vadd.f32 $1.000000000e+00, v0  }
0x1c2: {  	(erf) = vrcp.f32 v16  }
0x1c3: {  	(erf) = vrcp.f32 v0;
	_ =	sdelay $0x5  }
0x1c4: {  	v0 =	vpop (erf)  }
0x1c5: {  	[tilespmem:s28+$0x10600] =	vst v0;
	v0 =	vpop (erf)  }
0x1c6: {  	s26 =	sadd.s32 $0x1, s26;
	[tilespmem:s28+$0x10610] =	vst v0;
	v0 =	vpop (erf)  }
0x1c7: {  	p0 =	sne.s32 s26, s8;
	[tilespmem:s28+$0x10620] =	vst v0;
	v0 =	vpop (erf)  }
.Ltmp3:
0x1c8: {  	[tilespmem:s28+$0x10630] =	vst v0;
	(pc) =	sbr.rel @p0 .LBB2_1-.Ltmp3, $4  }
0x1c9: {  	[hbm4b:s7+s4] =	stream.linear.scatter [tilespmem:s24], [sflag:$0x4], $0x200, $0x38;
	[tilespmem:$0x11000] =	vst v63  }
0x1ca: {  	_ =	swait.ge [sflag:s25], $0x200  }
0x1cb: {  	[sflag:s25] =	ssyncset.done $0x0  }
0x1cc: {  	[sflag:s25] =	ssyncadd.s32 $0xFFFFFE00  }
0x1cd: {  	_ =	sfence.sel $0x180000  }
0x1ce: {  	[bflag:$0x0] =	sbarrier.arrive $0xFFFF  }
0x1cf: {  	_ =	strace $0x90000047  }
0x1d0: {  	s0 =	stileid.u32;
	[bflag:$0x2] =	sbarrier.arrive $0xFFFF  }
0x1d1: {  	p0 =	sne.s32 s0, $0x0;
	s0 =	rddreg [dreg:$0x5]  }
0x1d2: {  	s0 =	sadd.s32 @!p0 $0x100000, s0  }
0x1d3: {  	[sflag:s0] =	ssyncadd.tile.s32 @!p0 $0x1;
	_ =	shalt  }
.Lfunc_end2:
_tile_overlayer_lowered:
.L_overlay_start_2:
0x1d4: {  	(tag) =	ssettag $0x2  }
0x1d5: {  	s0 =	rddreg [dreg:$0x0];
	s2 =	stileid.u32  }
0x1d6: {  	s1 =	rddreg [dreg:$0x1];
	p0 =	sne.s32 s2, $0x0  }
0x1d7: {  	s3 =	rddreg [dreg:$0x2];
	[bflag:$0x3] =	sbarrier.arrive $0xFFFF;
	s2 =	simm.s32 @!p0 $0x1C04  }
0x1d8: {  	[timem:s3], [sflag:s2] =	dma.local @!p0 [hbm:s0], s1  }
0x1d9: {  	s0 =	simm.s32 @!p0 $0x4  }
0x1da: {  	_ =	swait.ge @!p0 [sflag:s0], s1  }
0x1db: {  	s1 =	ssub.s32 @!p0 $0x0, s1;
	[sflag:s0] =	ssyncset.done @!p0 $0x0  }
0x1dc: {  	[sflag:s0] =	ssyncadd.s32 @!p0 s1  }
0x1dd: {  	[bflag:$0x3] =	sbarrier.arrive $0xFFFF  }
0x1de: {  	_ =	shalt  }

</sc_bundles>
